<compile_context>
chip_gen: v7x
topology: tpu7x:2x2x1
jax: 0.10.2.dev20260603
libtpu: 0.0.44.dev20260713+nightly
codegen_flags: <defaults>
</compile_context>

<pallas_src>
import functools

import jax
import jax.numpy as jnp
from jax import lax
from jax.experimental import pallas as pl
from jax.experimental.pallas import tpu as pltpu
from jax.experimental.pallas import tpu_sc as plsc

_NC = 2
_NS = 16
_NW = _NC * _NS

_LANES = 128
_SUBL = 8


def _ln_body(embed_ref, lnw_ref, lnb_ref, out_ref):
    e = embed_ref[...]
    mean = jnp.mean(e, axis=1, keepdims=True)
    c = e - mean
    var = jnp.mean(c * c, axis=1, keepdims=True)
    out_ref[...] = (c / jnp.sqrt(var + 1e-5)) * lnw_ref[...][None, :] \
        + lnb_ref[...][None, :]


def _ln_table(embed, ln_w, ln_b):
    return pl.pallas_call(
        _ln_body,
        out_shape=jax.ShapeDtypeStruct(embed.shape, jnp.float32),
    )(embed, ln_w, ln_b)


@functools.lru_cache(maxsize=None)
def _make_hgather(n_tok, emb):
    per_w = n_tok // _NW
    chunk = 400
    n_chunks = per_w // chunk
    mesh = plsc.VectorSubcoreMesh(core_axis_name="c", subcore_axis_name="s")

    @functools.partial(
        pl.kernel,
        mesh=mesh,
        compiler_params=pltpu.CompilerParams(use_tc_tiling_on_sc=False),
        out_type=jax.ShapeDtypeStruct((n_tok, emb), jnp.float32),
        scratch_types=[
            pltpu.VMEM((per_w,), jnp.int32),
            pltpu.VMEM((chunk, emb), jnp.float32),
            pltpu.VMEM((chunk, emb), jnp.float32),
            pltpu.SemaphoreType.DMA,
            pltpu.SemaphoreType.DMA,
            pltpu.SemaphoreType.DMA,
            pltpu.SemaphoreType.DMA,
            pltpu.SemaphoreType.DMA,
        ],
    )
    def hgather(tab_hbm, ids_hbm, h_hbm, idx_v, buf0, buf1, isem, g0, g1, w0, w1):
        wid = lax.axis_index("s") * _NC + lax.axis_index("c")
        base = wid * per_w
        bufs = (buf0, buf1)
        gsem = (g0, g1)
        wsem = (w0, w1)
        pltpu.make_async_copy(ids_hbm.at[pl.ds(base, per_w)], idx_v, isem).start()
        pltpu.make_async_copy(ids_hbm.at[pl.ds(base, per_w)], idx_v, isem).wait()

        def start_gather(k, s):
            pltpu.async_copy(
                tab_hbm.at[idx_v.at[pl.ds(k * chunk, chunk)]], bufs[s], gsem[s]
            )

        def start_write(k, s):
            pltpu.async_copy(
                bufs[s], h_hbm.at[pl.ds(base + k * chunk, chunk)], wsem[s]
            )

        start_gather(0, 0)

        def body(g, carry):
            for s in range(2):
                k = g * 2 + s
                cur, nxt = s, 1 - s
                pltpu.make_async_copy(
                    tab_hbm.at[idx_v.at[pl.ds(0, chunk)]], bufs[cur], gsem[cur]
                ).wait()

                @pl.when(k >= 1)
                def _():
                    pltpu.make_async_copy(
                        bufs[nxt], h_hbm.at[pl.ds(base, chunk)], wsem[nxt]
                    ).wait()

                @pl.when(k + 1 < n_chunks)
                def _():
                    start_gather(k + 1, nxt)

                start_write(k, cur)
            return carry

        lax.fori_loop(0, n_chunks // 2, body, 0)
        pltpu.make_async_copy(
            bufs[1], h_hbm.at[pl.ds(base, chunk)], wsem[1]
        ).wait()

    return hgather


def _head_body(h_ref, w_ref, b_ref, out_ref):
    hblk = h_ref[...][0].astype(jnp.bfloat16)
    w = w_ref[...].astype(jnp.bfloat16)
    t = lax.dot_general(
        w, hblk, (((1,), (1,)), ((), ())),
        preferred_element_type=jnp.float32,
    )
    t = t + b_ref[...][:, None]
    vg = out_ref.shape[1]
    out_ref[...] = t.reshape(1, vg, 1, _SUBL, _LANES)


def _lm_head(h3, W, b, bsz, seq, vocab):
    vg = vocab // _SUBL
    bg = bsz // _LANES
    out5 = pl.pallas_call(
        _head_body,
        grid=(seq, bg),
        in_specs=[
            pl.BlockSpec((1, _LANES, h3.shape[2]), lambda l, g: (l, g, 0)),
            pl.BlockSpec((vocab, W.shape[1]), lambda l, g: (0, 0)),
            pl.BlockSpec((vocab,), lambda l, g: (0,)),
        ],
        out_specs=pl.BlockSpec((1, vg, 1, _SUBL, _LANES),
                               lambda l, g: (l, 0, g, 0, 0)),
        out_shape=jax.ShapeDtypeStruct((seq, vg, bg, _SUBL, _LANES), jnp.float32),
    )(h3, W, b)
    return out5


def kernel(input_ids, embed, ln_w, ln_b, W, b):
    bsz, seq = input_ids.shape
    vocab = W.shape[0]
    hn = _ln_table(embed, ln_w, ln_b)
    ids_t = input_ids.T.reshape(-1).astype(jnp.int32)
    h = _make_hgather(bsz * seq, embed.shape[1])(hn, ids_t)
    h3 = h.reshape(seq, bsz, embed.shape[1])
    out5 = _lm_head(h3, W, b, bsz, seq, vocab)
    out = jnp.transpose(out5, (2, 4, 0, 1, 3)).reshape(bsz, seq, vocab)
    return out

# --- scband reference (transcript-rebuilt; emitter-appended) ---
"""Pipeline reference for scband-mini-model-12025908429063 (READ-ONLY COPY).

The authoritative reference and input builder live on the scoring server;
editing this copy changes nothing except your own understanding.
"""

import jax, jax.numpy as jnp
import numpy as np

VOCAB = 1000
EMB = 8

def setup_inputs(seed: int = 0) -> dict:
    key = jax.random.key(seed)
    k1, k2, k3, k4 = jax.random.split(key, 4)
    input_ids = jax.random.randint(k1, (4096, 50), 0, VOCAB, dtype=jnp.int64 if jax.config.jax_enable_x64 else jnp.int32)
    embed = jax.random.normal(k2, (VOCAB, EMB), dtype=jnp.float32)
    ln_w = jnp.ones((EMB,), dtype=jnp.float32)
    ln_b = jnp.zeros((EMB,), dtype=jnp.float32)
    # torch Linear default init ~ U(-1/sqrt(in), 1/sqrt(in))
    bound = 1.0 / np.sqrt(EMB)
    W = jax.random.uniform(k3, (VOCAB, EMB), minval=-bound, maxval=bound, dtype=jnp.float32)
    b = jax.random.uniform(k4, (VOCAB,), minval=-bound, maxval=bound, dtype=jnp.float32)
    return {"input_ids": input_ids, "embed": embed, "ln_w": ln_w, "ln_b": ln_b, "W": W, "b": b}

def reference(input_ids, embed, ln_w, ln_b, W, b):
    # embedding gather
    h = jnp.take(embed, input_ids, axis=0)  # [B, L, EMB]
    # LayerNorm (torch semantics: biased variance, eps=1e-5)
    mean = jnp.mean(h, axis=-1, keepdims=True)
    var = jnp.mean(jnp.square(h - mean), axis=-1, keepdims=True)
    h = (h - mean) / jnp.sqrt(var + 1e-5) * ln_w + ln_b
    # lm_head: Linear(EMB, VOCAB) -> h @ W.T + b
    out = jnp.einsum('blh,vh->blv', h, W) + b
    return out

if __name__ == "__main__":
    import jax
    _d = setup_inputs()
    print(jax.jit(kernel)(*tuple(_d.values())))

</pallas_src>

<mosaic_0001>
#map = affine_map<(d0, d1) -> (0, 0)>
#map1 = affine_map<(d0, d1) -> (0)>
module attributes {stable_mosaic.version = 14 : i64} {
  func.func @hgather(%arg0: i32, %arg1: i32, %arg2: memref<1000x8xf32, #tpu.memory_space<hbm>>, %arg3: memref<204800xi32, #tpu.memory_space<hbm>>, %arg4: memref<204800x8xf32, #tpu.memory_space<hbm>>, %arg5: memref<6400xi32, #tpu.memory_space<vmem>>, %arg6: memref<400x8xf32, #tpu.memory_space<vmem>>, %arg7: memref<400x8xf32, #tpu.memory_space<vmem>>, %arg8: memref<!tpu.dma_semaphore, #tpu.memory_space<semaphore_mem>>, %arg9: memref<!tpu.dma_semaphore, #tpu.memory_space<semaphore_mem>>, %arg10: memref<!tpu.dma_semaphore, #tpu.memory_space<semaphore_mem>>, %arg11: memref<!tpu.dma_semaphore, #tpu.memory_space<semaphore_mem>>, %arg12: memref<!tpu.dma_semaphore, #tpu.memory_space<semaphore_mem>>) attributes {dimension_semantics = [#tpu.dimension_semantics<core_parallel>, #tpu.dimension_semantics<subcore_parallel>], iteration_bounds = array<i64: 2, 16>, scalar_prefetch = 0 : i64, scratch_operands = 8 : i64, tpu.core_type = #tpu.core_type<sc_vector_subcore>, window_params = [{transform_indices = #map}, {transform_indices = #map1}, {transform_indices = #map}]} {
    %mul3A = arith.constant 2 : i32
    %mul3A_0 = arith.muli %arg1, %mul3A : i32
    %add3A = arith.addi %mul3A_0, %arg0 : i32
    %mul3A_1 = arith.constant 6400 : i32
    %mul3A_2 = arith.muli %add3A, %mul3A_1 : i32
    %dma_start3A = tpu.memref_slice %arg3[%mul3A_2] : memref<204800xi32, #tpu.memory_space<hbm>> -> memref<6400xi32, #tpu.memory_space<hbm>>
    %dma_start3A_3 = tpu.memref_slice %arg3[%mul3A_2] : memref<204800xi32, #tpu.memory_space<hbm>> -> memref<6400xi32, #tpu.memory_space<hbm>>
    tpu.enqueue_dma source(%dma_start3A_3 : memref<6400xi32, #tpu.memory_space<hbm>>) target(%arg5 : memref<6400xi32, #tpu.memory_space<vmem>>) target_semaphore(%arg8 : memref<!tpu.dma_semaphore, #tpu.memory_space<semaphore_mem>>)
    %dma_wait3A = tpu.memref_slice %arg3[%mul3A_2] : memref<204800xi32, #tpu.memory_space<hbm>> -> memref<6400xi32, #tpu.memory_space<hbm>>
    %dma_wait3A_4 = tpu.memref_slice %arg3[%mul3A_2] : memref<204800xi32, #tpu.memory_space<hbm>> -> memref<6400xi32, #tpu.memory_space<hbm>>
    tpu.wait_dma2 semaphore(%arg8 : memref<!tpu.dma_semaphore, #tpu.memory_space<semaphore_mem>>) src(%dma_wait3A_4 : memref<6400xi32, #tpu.memory_space<hbm>>) dst(%arg5 : memref<6400xi32, #tpu.memory_space<vmem>>)
    %dma_start3A_5 = arith.constant 0 : i32
    %dma_start3A_6 = tpu.memref_slice %arg5[%dma_start3A_5] : memref<6400xi32, #tpu.memory_space<vmem>> -> memref<400xi32, #tpu.memory_space<vmem>>
    %dma_start3A_7 = arith.constant 0 : i32
    %dma_start3A_8 = arith.constant 0 : i32
    %dma_start3A_9 = tpu.memref_slice %arg2[%dma_start3A_7, %dma_start3A_8] : memref<1000x8xf32, #tpu.memory_space<hbm>> -> memref<1000x8xf32, #tpu.memory_space<hbm>>
    tpu.enqueue_indirect_dma source(%dma_start3A_9 : memref<1000x8xf32, #tpu.memory_space<hbm>>) target(%arg6 : memref<400x8xf32, #tpu.memory_space<vmem>>) offsets(%dma_start3A_6 : memref<400xi32, #tpu.memory_space<vmem>>) semaphore(%arg9 : memref<!tpu.dma_semaphore, #tpu.memory_space<semaphore_mem>>)
    %scan3A = arith.constant 0 : i32
    %scan3A_10 = arith.constant 0 : i32
    %scan3A_11 = arith.constant 8 : i32
    %scan3A_12 = arith.addi %scan3A_10, %scan3A_11 : i32
    %scan3A_13 = arith.constant 1 : i32
    scf.for %scan3A_19 = %scan3A_10 to %scan3A_12 step %scan3A_13  : i32 {
      %mul3A_20 = arith.constant 2 : i32
      %mul3A_21 = arith.muli %scan3A_19, %mul3A_20 : i32
      %add3A_22 = arith.constant 0 : i32
      %add3A_23 = arith.addi %mul3A_21, %add3A_22 : i32
      %dma_wait3A_24 = arith.constant 0 : i32
      %dma_wait3A_25 = tpu.memref_slice %arg5[%dma_wait3A_24] : memref<6400xi32, #tpu.memory_space<vmem>> -> memref<400xi32, #tpu.memory_space<vmem>>
      %dma_wait3A_26 = arith.constant 0 : i32
      %dma_wait3A_27 = arith.constant 0 : i32
      %dma_wait3A_28 = tpu.memref_slice %arg2[%dma_wait3A_26, %dma_wait3A_27] : memref<1000x8xf32, #tpu.memory_space<hbm>> -> memref<1000x8xf32, #tpu.memory_space<hbm>>
      tpu.wait_indirect_dma semaphore(%arg9 : memref<!tpu.dma_semaphore, #tpu.memory_space<semaphore_mem>>) src(%dma_wait3A_28 : memref<1000x8xf32, #tpu.memory_space<hbm>>) dst(%arg6 : memref<400x8xf32, #tpu.memory_space<vmem>>)
      %ge3A = arith.constant 1 : i32
      %ge3A_29 = arith.cmpi sge, %add3A_23, %ge3A : i32
      %convert_element_type3A = arith.extui %ge3A_29 : i1 to i32
      %cond3A = arith.constant 0 : i32
      %cond3A_30 = arith.cmpi ne, %convert_element_type3A, %cond3A : i32
      scf.if %cond3A_30 {
        %dma_wait3A_72 = arith.constant 0 : i32
        %dma_wait3A_73 = tpu.memref_slice %arg4[%mul3A_2, %dma_wait3A_72] : memref<204800x8xf32, #tpu.memory_space<hbm>> -> memref<400x8xf32, #tpu.memory_space<hbm>>
        %dma_wait3A_74 = arith.constant 0 : i32
        %dma_wait3A_75 = tpu.memref_slice %arg4[%mul3A_2, %dma_wait3A_74] : memref<204800x8xf32, #tpu.memory_space<hbm>> -> memref<400x8xf32, #tpu.memory_space<hbm>>
        tpu.wait_dma2 semaphore(%arg12 : memref<!tpu.dma_semaphore, #tpu.memory_space<semaphore_mem>>) src(%arg7 : memref<400x8xf32, #tpu.memory_space<vmem>>) dst(%dma_wait3A_75 : memref<400x8xf32, #tpu.memory_space<hbm>>)
      } else {
      }
      %add3A_31 = arith.constant 1 : i32
      %add3A_32 = arith.addi %add3A_23, %add3A_31 : i32
      %lt3A = arith.constant 16 : i32
      %lt3A_33 = arith.cmpi slt, %add3A_32, %lt3A : i32
      %convert_element_type3A_34 = arith.extui %lt3A_33 : i1 to i32
      %cond3A_35 = arith.constant 0 : i32
      %cond3A_36 = arith.cmpi ne, %convert_element_type3A_34, %cond3A_35 : i32
      scf.if %cond3A_36 {
        %add3A_72 = arith.constant 1 : i32
        %add3A_73 = arith.addi %add3A_23, %add3A_72 : i32
        %mul3A_74 = arith.constant 400 : i32
        %mul3A_75 = arith.muli %add3A_73, %mul3A_74 : i32
        %dma_start3A_76 = tpu.memref_slice %arg5[%mul3A_75] : memref<6400xi32, #tpu.memory_space<vmem>> -> memref<400xi32, #tpu.memory_space<vmem>>
        %dma_start3A_77 = arith.constant 0 : i32
        %dma_start3A_78 = arith.constant 0 : i32
        %dma_start3A_79 = tpu.memref_slice %arg2[%dma_start3A_77, %dma_start3A_78] : memref<1000x8xf32, #tpu.memory_space<hbm>> -> memref<1000x8xf32, #tpu.memory_space<hbm>>
        tpu.enqueue_indirect_dma source(%dma_start3A_79 : memref<1000x8xf32, #tpu.memory_space<hbm>>) target(%arg7 : memref<400x8xf32, #tpu.memory_space<vmem>>) offsets(%dma_start3A_76 : memref<400xi32, #tpu.memory_space<vmem>>) semaphore(%arg10 : memref<!tpu.dma_semaphore, #tpu.memory_space<semaphore_mem>>)
      } else {
      }
      %mul3A_37 = arith.constant 400 : i32
      %mul3A_38 = arith.muli %add3A_23, %mul3A_37 : i32
      %add3A_39 = arith.addi %mul3A_2, %mul3A_38 : i32
      %dma_start3A_40 = arith.constant 0 : i32
      %dma_start3A_41 = tpu.memref_slice %arg4[%add3A_39, %dma_start3A_40] : memref<204800x8xf32, #tpu.memory_space<hbm>> -> memref<400x8xf32, #tpu.memory_space<hbm>>
      %dma_start3A_42 = arith.constant 0 : i32
      %dma_start3A_43 = tpu.memref_slice %arg4[%add3A_39, %dma_start3A_42] : memref<204800x8xf32, #tpu.memory_space<hbm>> -> memref<400x8xf32, #tpu.memory_space<hbm>>
      tpu.enqueue_dma source(%arg6 : memref<400x8xf32, #tpu.memory_space<vmem>>) target(%dma_start3A_43 : memref<400x8xf32, #tpu.memory_space<hbm>>) target_semaphore(%arg11 : memref<!tpu.dma_semaphore, #tpu.memory_space<semaphore_mem>>)
      %mul3A_44 = arith.constant 2 : i32
      %mul3A_45 = arith.muli %scan3A_19, %mul3A_44 : i32
      %add3A_46 = arith.constant 1 : i32
      %add3A_47 = arith.addi %mul3A_45, %add3A_46 : i32
      %dma_wait3A_48 = arith.constant 0 : i32
      %dma_wait3A_49 = tpu.memref_slice %arg5[%dma_wait3A_48] : memref<6400xi32, #tpu.memory_space<vmem>> -> memref<400xi32, #tpu.memory_space<vmem>>
      %dma_wait3A_50 = arith.constant 0 : i32
      %dma_wait3A_51 = arith.constant 0 : i32
      %dma_wait3A_52 = tpu.memref_slice %arg2[%dma_wait3A_50, %dma_wait3A_51] : memref<1000x8xf32, #tpu.memory_space<hbm>> -> memref<1000x8xf32, #tpu.memory_space<hbm>>
      tpu.wait_indirect_dma semaphore(%arg10 : memref<!tpu.dma_semaphore, #tpu.memory_space<semaphore_mem>>) src(%dma_wait3A_52 : memref<1000x8xf32, #tpu.memory_space<hbm>>) dst(%arg7 : memref<400x8xf32, #tpu.memory_space<vmem>>)
      %ge3A_53 = arith.constant 1 : i32
      %ge3A_54 = arith.cmpi sge, %add3A_47, %ge3A_53 : i32
      %convert_element_type3A_55 = arith.extui %ge3A_54 : i1 to i32
      %cond3A_56 = arith.constant 0 : i32
      %cond3A_57 = arith.cmpi ne, %convert_element_type3A_55, %cond3A_56 : i32
      scf.if %cond3A_57 {
        %dma_wait3A_72 = arith.constant 0 : i32
        %dma_wait3A_73 = tpu.memref_slice %arg4[%mul3A_2, %dma_wait3A_72] : memref<204800x8xf32, #tpu.memory_space<hbm>> -> memref<400x8xf32, #tpu.memory_space<hbm>>
        %dma_wait3A_74 = arith.constant 0 : i32
        %dma_wait3A_75 = tpu.memref_slice %arg4[%mul3A_2, %dma_wait3A_74] : memref<204800x8xf32, #tpu.memory_space<hbm>> -> memref<400x8xf32, #tpu.memory_space<hbm>>
        tpu.wait_dma2 semaphore(%arg11 : memref<!tpu.dma_semaphore, #tpu.memory_space<semaphore_mem>>) src(%arg6 : memref<400x8xf32, #tpu.memory_space<vmem>>) dst(%dma_wait3A_75 : memref<400x8xf32, #tpu.memory_space<hbm>>)
      } else {
      }
      %add3A_58 = arith.constant 1 : i32
      %add3A_59 = arith.addi %add3A_47, %add3A_58 : i32
      %lt3A_60 = arith.constant 16 : i32
      %lt3A_61 = arith.cmpi slt, %add3A_59, %lt3A_60 : i32
      %convert_element_type3A_62 = arith.extui %lt3A_61 : i1 to i32
      %cond3A_63 = arith.constant 0 : i32
      %cond3A_64 = arith.cmpi ne, %convert_element_type3A_62, %cond3A_63 : i32
      scf.if %cond3A_64 {
        %add3A_72 = arith.constant 1 : i32
        %add3A_73 = arith.addi %add3A_47, %add3A_72 : i32
        %mul3A_74 = arith.constant 400 : i32
        %mul3A_75 = arith.muli %add3A_73, %mul3A_74 : i32
        %dma_start3A_76 = tpu.memref_slice %arg5[%mul3A_75] : memref<6400xi32, #tpu.memory_space<vmem>> -> memref<400xi32, #tpu.memory_space<vmem>>
        %dma_start3A_77 = arith.constant 0 : i32
        %dma_start3A_78 = arith.constant 0 : i32
        %dma_start3A_79 = tpu.memref_slice %arg2[%dma_start3A_77, %dma_start3A_78] : memref<1000x8xf32, #tpu.memory_space<hbm>> -> memref<1000x8xf32, #tpu.memory_space<hbm>>
        tpu.enqueue_indirect_dma source(%dma_start3A_79 : memref<1000x8xf32, #tpu.memory_space<hbm>>) target(%arg6 : memref<400x8xf32, #tpu.memory_space<vmem>>) offsets(%dma_start3A_76 : memref<400xi32, #tpu.memory_space<vmem>>) semaphore(%arg9 : memref<!tpu.dma_semaphore, #tpu.memory_space<semaphore_mem>>)
      } else {
      }
      %mul3A_65 = arith.constant 400 : i32
      %mul3A_66 = arith.muli %add3A_47, %mul3A_65 : i32
      %add3A_67 = arith.addi %mul3A_2, %mul3A_66 : i32
      %dma_start3A_68 = arith.constant 0 : i32
      %dma_start3A_69 = tpu.memref_slice %arg4[%add3A_67, %dma_start3A_68] : memref<204800x8xf32, #tpu.memory_space<hbm>> -> memref<400x8xf32, #tpu.memory_space<hbm>>
      %dma_start3A_70 = arith.constant 0 : i32
      %dma_start3A_71 = tpu.memref_slice %arg4[%add3A_67, %dma_start3A_70] : memref<204800x8xf32, #tpu.memory_space<hbm>> -> memref<400x8xf32, #tpu.memory_space<hbm>>
      tpu.enqueue_dma source(%arg7 : memref<400x8xf32, #tpu.memory_space<vmem>>) target(%dma_start3A_71 : memref<400x8xf32, #tpu.memory_space<hbm>>) target_semaphore(%arg12 : memref<!tpu.dma_semaphore, #tpu.memory_space<semaphore_mem>>)
    }
    %scan3A_14 = arith.constant 8 : i32
    %dma_wait3A_15 = arith.constant 0 : i32
    %dma_wait3A_16 = tpu.memref_slice %arg4[%mul3A_2, %dma_wait3A_15] : memref<204800x8xf32, #tpu.memory_space<hbm>> -> memref<400x8xf32, #tpu.memory_space<hbm>>
    %dma_wait3A_17 = arith.constant 0 : i32
    %dma_wait3A_18 = tpu.memref_slice %arg4[%mul3A_2, %dma_wait3A_17] : memref<204800x8xf32, #tpu.memory_space<hbm>> -> memref<400x8xf32, #tpu.memory_space<hbm>>
    tpu.wait_dma2 semaphore(%arg12 : memref<!tpu.dma_semaphore, #tpu.memory_space<semaphore_mem>>) src(%arg7 : memref<400x8xf32, #tpu.memory_space<vmem>>) dst(%dma_wait3A_18 : memref<400x8xf32, #tpu.memory_space<hbm>>)
    return
  }
}

module attributes {stable_mosaic.version = 14 : i64} {
  func.func @_ln_body(%arg0: memref<1000x8xf32, #tpu.memory_space<vmem>>, %arg1: memref<8xf32, #tpu.memory_space<vmem>>, %arg2: memref<8xf32, #tpu.memory_space<vmem>>, %arg3: memref<1000x8xf32, #tpu.memory_space<vmem>>) attributes {dimension_semantics = [], scalar_prefetch = 0 : i64, scratch_operands = 0 : i64, tpu.core_type = #tpu.core_type<tc>} {
    %get3A = arith.constant 0 : index
    %get3A_0 = arith.constant 0 : index
    %get3A_1 = vector.load %arg0[%get3A, %get3A_0] : memref<1000x8xf32, #tpu.memory_space<vmem>>, vector<1000x8xf32>
    %reduce_sum3A = arith.constant dense<0.000000e+00> : vector<1000xf32>
    %reduce_sum3A_2 = vector.multi_reduction <add>, %get3A_1, %reduce_sum3A [1] : vector<1000x8xf32> to vector<1000xf32>
    %broadcast_in_dim3A = vector.shape_cast %reduce_sum3A_2 : vector<1000xf32> to vector<1000x1xf32>
    %div3A = arith.constant 8.000000e+00 : f32
    %div3A_3 = vector.broadcast %div3A : f32 to vector<1000x1xf32>
    %div3A_4 = arith.divf %broadcast_in_dim3A, %div3A_3 : vector<1000x1xf32>
    %sub3A = vector.broadcast %div3A_4 : vector<1000x1xf32> to vector<1000x8xf32>
    %sub3A_5 = arith.subf %get3A_1, %sub3A : vector<1000x8xf32>
    %mul3A = arith.mulf %sub3A_5, %sub3A_5 : vector<1000x8xf32>
    %reduce_sum3A_6 = arith.constant dense<0.000000e+00> : vector<1000xf32>
    %reduce_sum3A_7 = vector.multi_reduction <add>, %mul3A, %reduce_sum3A_6 [1] : vector<1000x8xf32> to vector<1000xf32>
    %broadcast_in_dim3A_8 = vector.shape_cast %reduce_sum3A_7 : vector<1000xf32> to vector<1000x1xf32>
    %div3A_9 = arith.constant 8.000000e+00 : f32
    %div3A_10 = vector.broadcast %div3A_9 : f32 to vector<1000x1xf32>
    %div3A_11 = arith.divf %broadcast_in_dim3A_8, %div3A_10 : vector<1000x1xf32>
    %add3A = arith.constant 9.99999974E-6 : f32
    %add3A_12 = vector.broadcast %add3A : f32 to vector<1000x1xf32>
    %add3A_13 = arith.addf %div3A_11, %add3A_12 : vector<1000x1xf32>
    %sqrt3A = math.sqrt %add3A_13 : vector<1000x1xf32>
    %div3A_14 = vector.broadcast %sqrt3A : vector<1000x1xf32> to vector<1000x8xf32>
    %div3A_15 = arith.divf %sub3A_5, %div3A_14 : vector<1000x8xf32>
    %get3A_16 = arith.constant 0 : index
    %get3A_17 = vector.load %arg1[%get3A_16] : memref<8xf32, #tpu.memory_space<vmem>>, vector<8xf32>
    %broadcast_in_dim3A_18 = vector.shape_cast %get3A_17 : vector<8xf32> to vector<1x8xf32>
    %mul3A_19 = vector.broadcast %broadcast_in_dim3A_18 : vector<1x8xf32> to vector<1000x8xf32>
    %mul3A_20 = arith.mulf %div3A_15, %mul3A_19 : vector<1000x8xf32>
    %get3A_21 = arith.constant 0 : index
    %get3A_22 = vector.load %arg2[%get3A_21] : memref<8xf32, #tpu.memory_space<vmem>>, vector<8xf32>
    %broadcast_in_dim3A_23 = vector.shape_cast %get3A_22 : vector<8xf32> to vector<1x8xf32>
    %add3A_24 = vector.broadcast %broadcast_in_dim3A_23 : vector<1x8xf32> to vector<1000x8xf32>
    %add3A_25 = arith.addf %mul3A_20, %add3A_24 : vector<1000x8xf32>
    %swap3A = arith.constant 0 : index
    %swap3A_26 = arith.constant 0 : index
    %swap3A_27 = vector.load %arg3[%swap3A, %swap3A_26] : memref<1000x8xf32, #tpu.memory_space<vmem>>, vector<1000x8xf32>
    tpu.vector_store %arg3[%swap3A, %swap3A_26], %add3A_25 {strides = array<i32>} : memref<1000x8xf32, #tpu.memory_space<vmem>>, vector<1000x8xf32>,
    return
  }
}

module attributes {stable_mosaic.version = 14 : i64} {
  func.func @_head_body(%arg0: i32, %arg1: i32, %arg2: memref<1x128x8xf32, #tpu.memory_space<vmem>>, %arg3: memref<1000x8xf32, #tpu.memory_space<vmem>>, %arg4: memref<1000xf32, #tpu.memory_space<vmem>>, %arg5: memref<1x125x1x8x128xf32, #tpu.memory_space<vmem>>) attributes {dimension_semantics = [#tpu.dimension_semantics<arbitrary>, #tpu.dimension_semantics<arbitrary>], iteration_bounds = array<i64: 50, 32>, scalar_prefetch = 0 : i64, scratch_operands = 0 : i64, tpu.core_type = #tpu.core_type<tc>, window_params = [{transform_indices = @transform_0, window_bounds = array<i64: 1, 128, 8>}, {pipeline_mode = #tpu.pipeline_mode<synchronous>, transform_indices = @transform_1, window_bounds = array<i64: 1000, 8>}, {pipeline_mode = #tpu.pipeline_mode<synchronous>, transform_indices = @transform_2, window_bounds = array<i64: 1000>}, {transform_indices = @transform_3, window_bounds = array<i64: 1, 125, 1, 8, 128>}]} {
    %get3A = arith.constant 0 : index
    %get3A_0 = arith.constant 0 : index
    %get3A_1 = arith.constant 0 : index
    %get3A_2 = vector.load %arg2[%get3A, %get3A_0, %get3A_1] : memref<1x128x8xf32, #tpu.memory_space<vmem>>, vector<1x128x8xf32>
    %squeeze3A = vector.shape_cast %get3A_2 : vector<1x128x8xf32> to vector<128x8xf32>
    %convert_element_type3A = arith.truncf %squeeze3A : vector<128x8xf32> to vector<128x8xbf16>
    %get3A_3 = arith.constant 0 : index
    %get3A_4 = arith.constant 0 : index
    %get3A_5 = vector.load %arg3[%get3A_3, %get3A_4] : memref<1000x8xf32, #tpu.memory_space<vmem>>, vector<1000x8xf32>
    %convert_element_type3A_6 = arith.truncf %get3A_5 : vector<1000x8xf32> to vector<1000x8xbf16>
    %dot_general3A = arith.constant dense<0.000000e+00> : vector<1000x128xf32>
    %dot_general3A_7 = tpu.matmul %convert_element_type3A_6, %convert_element_type3A, %dot_general3A {dimension_numbers = #tpu.dot_dimension_numbers<[1], [1], [0], [0], [0, 0, 1, 0], [], []>, transpose_lhs_hint = false} : vector<1000x8xbf16>, vector<128x8xbf16>, vector<1000x128xf32> -> vector<1000x128xf32>
    %get3A_8 = arith.constant 0 : index
    %get3A_9 = vector.load %arg4[%get3A_8] : memref<1000xf32, #tpu.memory_space<vmem>>, vector<1000xf32>
    %broadcast_in_dim3A = vector.shape_cast %get3A_9 : vector<1000xf32> to vector<1000x1xf32>
    %add3A = vector.broadcast %broadcast_in_dim3A : vector<1000x1xf32> to vector<1000x128xf32>
    %add3A_10 = arith.addf %dot_general3A_7, %add3A : vector<1000x128xf32>
    %reshape3A = vector.shape_cast %add3A_10 : vector<1000x128xf32> to vector<1x125x1x8x128xf32>
    %swap3A = arith.constant 0 : index
    %swap3A_11 = arith.constant 0 : index
    %swap3A_12 = arith.constant 0 : index
    %swap3A_13 = arith.constant 0 : index
    %swap3A_14 = arith.constant 0 : index
    %swap3A_15 = vector.load %arg5[%swap3A, %swap3A_11, %swap3A_12, %swap3A_13, %swap3A_14] : memref<1x125x1x8x128xf32, #tpu.memory_space<vmem>>, vector<1x125x1x8x128xf32>
    tpu.vector_store %arg5[%swap3A, %swap3A_11, %swap3A_12, %swap3A_13, %swap3A_14], %reshape3A {strides = array<i32>} : memref<1x125x1x8x128xf32, #tpu.memory_space<vmem>>, vector<1x125x1x8x128xf32>,
    return
  }
  func.func @transform_0(%arg0: i32, %arg1: i32) -> (i32, i32, i32) {
    %c0_i32 = arith.constant 0 : i32
    %c0_i32_0 = arith.constant 0 : i32
    return %arg0, %arg1, %c0_i32 : i32, i32, i32
  }
  func.func @transform_1(%arg0: i32, %arg1: i32) -> (i32, i32) {
    %c0_i32 = arith.constant 0 : i32
    %c0_i32_0 = arith.constant 0 : i32
    %c0_i32_1 = arith.constant 0 : i32
    return %c0_i32, %c0_i32_0 : i32, i32
  }
  func.func @transform_2(%arg0: i32, %arg1: i32) -> i32 {
    %c0_i32 = arith.constant 0 : i32
    %c0_i32_0 = arith.constant 0 : i32
    return %c0_i32 : i32
  }
  func.func @transform_3(%arg0: i32, %arg1: i32) -> (i32, i32, i32, i32, i32) {
    %c0_i32 = arith.constant 0 : i32
    %c0_i32_0 = arith.constant 0 : i32
    %c0_i32_1 = arith.constant 0 : i32
    %c0_i32_2 = arith.constant 0 : i32
    return %arg0, %c0_i32, %arg1, %c0_i32_0, %c0_i32_1 : i32, i32, i32, i32, i32
  }
}

</mosaic_0001>

<sc_bundles>
// kernel: kernel.5.cloned.1.call-start
scs
__scs_entry_jumppad:
0x0: {  	(pc) =	sbr.rel $0x88, $3  }
0x1: {  	(tag) =	ssettag $0x0;
	lr =	simm.s32 $0x1  }
0x2: {  	[smem:$0x3F9B] =	sst lr;
	_ =	strace $0xD0000000  }
0x3: {  	_ = 	snop  }
0x4: {  	_ = 	snop  }
0x5: {  	_ = 	snop  }
0x6: {  	_ = 	snop  }
0x7: {  	_ = 	snop  }
__scs_overlays_trampoline_lowered:
0x8: {  	[smem:$0x3FAA] =	sst s0  }
0x9: {  	[smem:$0x3FAB] =	sst s1  }
0xa: {  	[smem:$0x3FAC] =	sst s2  }
0xb: {  	[smem:$0x3FAD] =	sst s3  }
0xc: {  	[smem:$0x3FAE] =	sst s4  }
0xd: {  	[smem:$0x3FAF] =	sst s5  }
0xe: {  	[smem:$0x3FB0] =	sst s6  }
0xf: {  	[smem:$0x3FB1] =	sst s7  }
0x10: {  	[smem:$0x3FB2] =	sst s8  }
0x11: {  	[smem:$0x3FB3] =	sst s9;
	s0 =	simm.s32 @!p0 $0x0  }
0x12: {  	s1 =	sld [smem:$0x3F99];
	s0 =	simm.s32 @p0 $0x1  }
0x13: {  	[smem:$0x3FB4] =	sst s0;
	s0 =	simm.s32 @!p1 $0x0  }
0x14: {  	s2 =	sld [smem:$0x3F98];
	s0 =	simm.s32 @p1 $0x1  }
0x15: {  	[smem:$0x3FB5] =	sst s0;
	s0 =	simm.s32 @!p2 $0x0  }
0x16: {  	s3 =	sld [smem:$0x3FDB];
	s0 =	simm.s32 @p2 $0x1  }
0x17: {  	s4 =	simm.s32 $0x1BF5;
	[smem:$0x3FB7] =	sst s0  }
0x18: {  	s0 =	sld [smem:$0x3F9A];
	_ =	swait.ge [sflag:s4], $0x0  }
0x19: {  	s7 =	sld [smem:$0x3F9B]  }
0x1a: {  	s8 =	sadd.s32 $0xFFFFE003, lr  }
0x1b: {  	s9 =	sadd.s32 $0xFFFFFEF7, lr;
	s5 =	simm.s32 $0xFFFFFFFF;
	p2 =	slt.u32 s8, $0xFFFFF086  }
0x1c: {  	p1 =	slt.u32 s9, $0xF7A;
	s5 =	simm.s32 @!p2 $0x0  }
0x1d: {  	s5 =	simm.s32 @p1 $0x1;
	p0 =	seq.s32 s7, s2  }
0x1e: {  	s7 =	smul.u32 @!p0 $0xF7A, s2;
	p2 =	seq.s32 @!p0 s5, $0x0  }
0x1f: {  	s9 =	smul.u32 $0xF7A, s1;
	s8 =	simm.s32 @!p0 $0x1BF5;
	p2 =	por !p2, p0  }
0x20: {  	[sflag:s8] =	ssyncset.s32 @!p0 $0xFFFFF086;
	s6 =	sadd.s32 @!p0 s3, s7;
	s7 =	simm.s32 @!p0 $0x108  }
0x21: {  	s3 =	sadd.s32 s3, s9;
	s6 =	sadd.s32 @!p0 $0x88, s6;
	s7 =	simm.s32 @p2 $0x1082  }
0x22: {  	[simem:s7], [sflag:s8] =	dma.local @!p0 [hbm:s6], $0xF7A  }
0x23: {  	s9 =	sor.u32 $0xD0000000, s2;
	s6 =	simm.s32 $0x108;
	_ =	swait.ge @!p0 [sflag:s8], $0x0  }
0x24: {  	s3 =	sadd.s32 $0x88, s3;
	s6 =	simm.s32 @!p1 $0x1082;
	[sflag:s4] =	ssyncset.s32 $0xFFFFF086  }
0x25: {  	[simem:s6], [sflag:s4] =	dma.local [hbm:s3], $0xF7A  }
0x26: {  	[smem:$0x3F9B] =	sst s1;
	(tag) =	ssettag s2;
	_ =	strace s9  }
0x27: {  	s1 =	sld [smem:$0x3FAB]  }
0x28: {  	s2 =	sld [smem:$0x3FAC]  }
0x29: {  	s4 =	sld [smem:$0x3FAE]  }
0x2a: {  	p0 =	seq.s32 s5, $0x0;
	s5 =	sld [smem:$0x3FAF]  }
0x2b: {  	s6 =	sld [smem:$0x3FB0]  }
0x2c: {  	s7 =	sld [smem:$0x3FB1]  }
0x2d: {  	s3 =	simm.s32 $0x108;
	s8 =	sld [smem:$0x3FB2]  }
0x2e: {  	s3 =	simm.s32 @!p0 $0x1082;
	s9 =	sld [smem:$0x3FB3]  }
0x2f: {  	lr =	sadd.s32 s0, s3;
	s0 =	sld [smem:$0x3FAA]  }
0x30: {  	s3 =	sld [smem:$0x3FAD]  }
0x31: {  	[smem:$0x3FB6] =	sst s10  }
0x32: {  	s10 =	sld [smem:$0x3FB4];
	_ =	sdelay $0x3  }
0x33: {  	p0 =	seq.s32 s10, $0x1;
	s10 =	sld [smem:$0x3FB6];
	_ =	sdelay $0x3  }
0x34: {  	[smem:$0x3FB6] =	sst s10  }
0x35: {  	s10 =	sld [smem:$0x3FB5];
	_ =	sdelay $0x3  }
0x36: {  	p1 =	seq.s32 s10, $0x1;
	s10 =	sld [smem:$0x3FB6];
	_ =	sdelay $0x3  }
0x37: {  	[smem:$0x3FB6] =	sst s10  }
0x38: {  	s10 =	sld [smem:$0x3FB7]  }
0x39: {  	_ = 	snop;
	(pc) =	sbr.ind lr, $3  }
0x3a: {  	_ = 	snop  }
0x3b: {  	_ = 	snop  }
0x3c: {  	p2 =	seq.s32 s10, $0x1;
	s10 =	sld [smem:$0x3FB6]  }
0x3d: {  	_ =	shalt  }
0x3e: {  	_ =	shalt  }
0x3f: {  	_ =	shalt  }
0x40: {  	_ =	shalt  }
0x41: {  	_ =	shalt  }
0x42: {  	_ =	shalt  }
0x43: {  	_ =	shalt  }
0x44: {  	_ =	shalt  }
0x45: {  	_ =	shalt  }
0x46: {  	_ =	shalt  }
0x47: {  	_ =	shalt  }
0x48: {  	_ =	shalt  }
0x49: {  	_ =	shalt  }
0x4a: {  	_ =	shalt  }
0x4b: {  	_ =	shalt  }
0x4c: {  	_ =	shalt  }
0x4d: {  	_ =	shalt  }
0x4e: {  	_ =	shalt  }
0x4f: {  	_ =	shalt  }
0x50: {  	_ =	shalt  }
0x51: {  	_ =	shalt  }
0x52: {  	_ =	shalt  }
0x53: {  	_ =	shalt  }
0x54: {  	_ =	shalt  }
0x55: {  	_ =	shalt  }
0x56: {  	_ =	shalt  }
0x57: {  	_ =	shalt  }
0x58: {  	_ =	shalt  }
0x59: {  	_ =	shalt  }
0x5a: {  	_ =	shalt  }
0x5b: {  	_ =	shalt  }
0x5c: {  	_ =	shalt  }
0x5d: {  	_ =	shalt  }
0x5e: {  	_ =	shalt  }
0x5f: {  	_ =	shalt  }
0x60: {  	_ =	shalt  }
0x61: {  	_ =	shalt  }
0x62: {  	_ =	shalt  }
0x63: {  	_ =	shalt  }
0x64: {  	_ =	shalt  }
0x65: {  	_ =	shalt  }
0x66: {  	_ =	shalt  }
0x67: {  	_ =	shalt  }
0x68: {  	_ =	shalt  }
0x69: {  	_ =	shalt  }
0x6a: {  	_ =	shalt  }
0x6b: {  	_ =	shalt  }
0x6c: {  	_ =	shalt  }
0x6d: {  	_ =	shalt  }
0x6e: {  	_ =	shalt  }
0x6f: {  	_ =	shalt  }
0x70: {  	_ =	shalt  }
0x71: {  	_ =	shalt  }
0x72: {  	_ =	shalt  }
0x73: {  	_ =	shalt  }
0x74: {  	_ =	shalt  }
0x75: {  	_ =	shalt  }
0x76: {  	_ =	shalt  }
0x77: {  	_ =	shalt  }
0x78: {  	_ =	shalt  }
0x79: {  	_ =	shalt  }
0x7a: {  	_ =	shalt  }
0x7b: {  	_ =	shalt  }
0x7c: {  	_ =	shalt  }
0x7d: {  	_ =	shalt  }
0x7e: {  	_ =	shalt  }
0x7f: {  	_ =	shalt  }
0x80: {  	_ =	shalt  }
0x81: {  	_ =	shalt  }
0x82: {  	_ =	shalt  }
0x83: {  	_ =	shalt  }
0x84: {  	_ =	shalt  }
0x85: {  	_ =	shalt  }
0x86: {  	_ =	shalt  }
0x87: {  	_ =	shalt  }
.Lfunc_end0:
.L_simem_size_0:
called_computation_lowered:
.L_overlay_start_0:
0x88: {  	s2 =	sld [smem:$0x3FD9]  }
0x89: {  	s3 =	sld [smem:$0x3FFE];
	_ =	sdelay $0x1  }
0x8a: {  	s1 =	srdreg.scid  }
0x8b: {  	s0 =	sand.u32 $0x1, s1  }
0x8c: {  	s17 =	sshll.u32 s0, $0xA;
	s2 =	sadd.s32 s3, s2  }
0x8d: {  	s2 =	sadd.s32 s2, s17  }
0x8e: {  	[smem:$0x3FC2] =	sst s2  }
0x8f: {  	_ = 	snop  }
0x90: {  	s2 =	sld [smem:$0x3FD0];
	(tm) =	ssettm $0x1  }
0x91: {  	s18 =	sld [smem:$0x3FFB];
	_ =	sdelay $0x3  }
0x92: {  	_ =	strace s18  }
0x93: {  	s3 =	sld [smem:$0x3FFC];
	_ =	sdelay $0x3  }
0x94: {  	_ =	strace s3  }
0x95: {  	s3 =	sld [smem:$0x3FFD];
	_ =	sdelay $0x3  }
0x96: {  	_ =	strace s3  }
0x97: {  	_ =	strace $0x8FFFFFFF  }
0x98: {  	s19 =	sld [smem:$0x3FDB];
	_ =	sdelay $0x1  }
0x99: {  	s4 =	simm.s32 $_scs_section_size  }
0x9a: {  	s5 =	simm.s32 $_size__tile_overlayer_lowered;
	s6 =	simm.s32 $_tile_overlayer_lowered  }
0x9b: {  	s22 =	simm.s32 $0x1BFF;
	s21 =	sshll.u32 s6, $0x1;
	s3 =	sadd.s32 s4, s19  }
0x9c: {  	s7 =	simm.s32 $0x0;
	s20 =	sshll.u32 s5, $0x1;
	s5 =	sadd.s32 s21, s3  }
0x9d: {  	[timem:s7], [sflag:s22] =	dma.local [hbm:s5], s20  }
0x9e: {  	_ =	swait.ge [sflag:s22], s20  }
0x9f: {  	s4 =	ssub.s32 $0x0, s20;
	[sflag:s22] =	ssyncset.done $0x0  }
0xa0: {  	[sflag:s22] =	ssyncadd.s32 s4;
	_ =	sdelay $0x1  }
0xa1: {  	s23 =	simm.s32 $0x1B8B  }
0xa2: {  	_ =	swait.ge [sflag:s23], $0x1  }
0xa3: {  	[sflag:s23] =	ssyncset.done $0x0  }
0xa4: {  	s25 =	simm.s32 $0x1B8E;
	s24 =	sld [smem:$0x3FFE];
	[sflag:s23] =	ssyncadd.s32 $0xFFFFFFFF  }
0xa5: {  	s26 =	simm.s32 $execute0_lowered;
	[smem:$0x3FD2] =	sst s25  }
0xa6: {  	s5 =	sshll.u32 s26, $0x1;
	_ =	strace $0x80000046;
	[dreg:$0x1] =	wrdreg $0xFFFFFFFF  }
0xa7: {  	s28 =	simm.s32 $_size_execute0_lowered;
	s3 =	sadd.s32 s3, s5;
	[dreg:$0x0] =	wrdreg $0x0  }
0xa8: {  	s5 =	sshll.u32 s28, $0x1;
	[dreg:$0x2] =	wrdreg s3  }
0xa9: {  	[dreg:$0x3] =	wrdreg s5  }
0xaa: {  	[dreg:$0x4] =	wrdreg $0xC0  }
0xab: {  	_ =	task [dreg:s7], $0x5FFFF  }
0xac: {  	[dreg:$0x1] =	wrdreg $0xFFFFFFFF  }
0xad: {  	[dreg:$0x0] =	wrdreg $0x60  }
0xae: {  	[dreg:$0x2] =	wrdreg s24  }
0xaf: {  	[dreg:$0x3] =	wrdreg s2  }
0xb0: {  	[dreg:$0x4] =	wrdreg $0x9  }
0xb1: {  	_ =	task.clear_ibuf [dreg:s7], $0x5FFFF;
	_ =	strace $0x90000046  }
0xb2: {  	s29 =	simm.s32 $0x9;
	_ =	strace $0x80000048  }
0xb3: {  	_ =	swait.ge [sflag:s29], $0x1  }
0xb4: {  	[sflag:s29] =	ssyncadd.s32 $0xFFFFFFFF  }
0xb5: {  	_ =	strace $0x90000048  }
0xb6: {  	_ =	sfence  }
0xb7: {  	s30 =	sld [smem:$0x0];
	_ =	sdelay $0x2  }
0xb8: {  	s31 =	sshll.u32 s1, $0xD;
	s1 =	sshrl.u32 s1, $0x2  }
0xb9: {  	s3 =	sand.u32 $0x4000, s31;
	s1 =	sadd.s32 s1, s30  }
0xba: {  	s0 =	sor.u32 s3, s0;
	s1 =	sshll.u32 s1, $0x11  }
0xbb: {  	s0 =	sor.u32 s1, s0  }
0xbc: {  	s0 =	sadd.s32 $0x8F2B, s0  }
0xbd: {  	[sflag:s0] =	ssyncadd.remote.s32 $0x1  }
0xbe: {  	_ =	sfence.sel $0xFFFF  }
0xbf: {  	[dreg:$0x0] =	wrdreg $0xFFFFFFFF;
	(pc) =	sbr.abs _section_cstart, $3  }
0xc0: {  	[dreg:$0x1] =	wrdreg $0xFFFFFFFF  }
0xc1: {  	_ =	task.clear_ibuf [dreg:s7], $0x2FFFF;
	_ =	strace $0x9FFFFFFF  }
0xc2: {  	(tm) =	ssettm $0x7FFFFFFF  }
0xc3: {  	_ =	shalt  }
tec
execute0_lowered:
.L_overlay_start_1:
0x0: {  	(tag) =	ssettag $0x1  }
0x1: {  	s0 =	srdreg.scid;
	s3 =	rddreg [dreg:$0x0]  }
0x2: {  	s1 =	stileid.u32;
	s4 =	rddreg [dreg:$0x1];
	s2 =	simm.s32 $0x0  }
0x3: {  	s31 =	simm.s32 $0x1;
	s9 =	simm.s32 $0x190;
	s10 =	simm.s32 $0x1900  }
0x4: {  	s13 =	simm.s32 $0x2;
	s0 =	sand.u32 $0x1, s0;
	s1 =	sshll.u32 s1, $0x1  }
0x5: {  	s11 =	simm.s32 $0x3;
	s8 =	simm.s32 $0x4;
	s1 =	sor.u32 s0, s1  }
0x6: {  	s30 =	simm.s32 $0x320;
	s7 =	simm.s32 $0x5;
	s1 =	smul.u32 $0x1900, s1  }
0x7: {  	s29 =	simm.s32 $0x4B0;
	s28 =	simm.s32 $0x640;
	[smem:$0x7FF] =	sst s2  }
0x8: {  	p0 =	por $0x0, $0x0;
	_ =	strace $0x80000047;
	s24 =	sadd.s32 s4, s1  }
0x9: {  	s0 =	ssub.s32 $0x2, s0;
	s5 =	sshrl.u32 s1, $0x3;
	s1 =	sadd.s32 $0x190, s24  }
0xa: {  	s23 =	sshrl.u32 s0, $0x1;
	s15 =	sadd.s32 $0x320, s24;
	[dreg:$0x4] =	wrdreg s1  }
0xb: {  	s0 =	ssub.s32 s0, s23;
	s16 =	sadd.s32 $0x4B0, s24;
	[dreg:$0x5] =	wrdreg s15  }
0xc: {  	s23 =	simm.s32 $0xAF0;
	s17 =	sadd.s32 $0x640, s24;
	[dreg:$0x6] =	wrdreg s16  }
0xd: {  	s4 =	sadd.s32 $0xA00, s3;
	s18 =	sadd.s32 $0x7D0, s24;
	[dreg:$0x7] =	wrdreg s17  }
0xe: {  	s0 =	smax.u32 s0, $0x1;
	s19 =	sadd.s32 $0x960, s24;
	[dreg:$0x8] =	wrdreg s18  }
0xf: {  	s5 =	sadd.s32 s5, s3;
	s20 =	sadd.s32 $0xAF0, s24;
	[dreg:$0x9] =	wrdreg s19  }
0x10: {  	s21 =	sadd.s32 $0xC80, s24;
	s22 =	sadd.s32 $0xE10, s24;
	[dreg:$0xa] =	wrdreg s20  }
0x11: {  	s25 =	sadd.s32 $0xFA0, s24;
	s26 =	sadd.s32 $0x1130, s24;
	[dreg:$0xb] =	wrdreg s21  }
0x12: {  	s14 =	sadd.s32 $0x12C0, s24;
	s12 =	sadd.s32 $0x1450, s24;
	[dreg:$0xc] =	wrdreg s22  }
0x13: {  	s6 =	sadd.s32 $0x15E0, s24;
	s3 =	sadd.s32 $0x1770, s24;
	[dreg:$0xd] =	wrdreg s25  }
0x14: {  	p1 =	sne.s32 s0, $0x1;
	s5 =	sadd.s32 $0xE00, s5;
	[dreg:$0xe] =	wrdreg s26  }
.Ltmp0:
0x15: {  	s26 =	simm.s32 $0x7D0;
	s25 =	simm.s32 $0x960;
	(pc) =	sbr.rel @!p1 .LBB2_3-.Ltmp0, $4  }
0x16: {  	s22 =	simm.s32 $0xC80;
	s21 =	simm.s32 $0xE10;
	s1 =	sadd.s32 $0xFFFFFFFF, s0  }
0x17: {  	s20 =	simm.s32 $0xFA0;
	s19 =	simm.s32 $0x1130;
	s18 =	simm.s32 $0x12C0  }
0x18: {  	s17 =	simm.s32 $0x1450;
	s16 =	simm.s32 $0x15E0;
	[dreg:$0x3] =	wrdreg s5  }
0x19: {  	s15 =	simm.s32 $0x1770;
	s5 =	simm.s32 $0x2580;
	s0 =	rddreg [dreg:$0x3]  }
0x1a: {  	[tilespmem:s2], [sflag:$0x1] =	stream.linear.gather [hbm4b:s0+s2], $0x1900, $0x38;
	[tilespmem:$0x3200] =	vst v63  }
0x1b: {  	_ =	swait.ge [sflag:s31], $0x1900  }
0x1c: {  	[sflag:s31] =	ssyncset.done $0x0  }
0x1d: {  	[sflag:s31] =	ssyncadd.s32 $0xFFFFE700  }
0x1e: {  	[tilespmem:s10], [sflag:$0x2] =	stream.indirect.gather [hbm4b:s4+s9], $0x8, s2, s9, $0xb8;
	[tilespmem:$0x3200] =	vst v63  }
0x1f: {  	_ =	swait.ge [sflag:s13], $0xC80  }
0x20: {  	[sflag:s13] =	ssyncset.done $0x0  }
0x21: {  	[sflag:s13] =	ssyncadd.s32 $0xFFFFF380  }
0x22: {  	[tilespmem:s5], [sflag:$0x3] =	stream.indirect.gather [hbm4b:s4+s9], $0x8, s9, s9, $0xb8;
	[tilespmem:$0x3200] =	vst v63  }
0x23: {  	_ = 	snop  }
0x24: {  	[hbm4b:s24+s2] =	stream.linear.scatter [tilespmem:s10], [sflag:$0x4], $0xC80, $0x38;
	[tilespmem:$0x3200] =	vst v63  }
0x25: {  	_ =	swait.ge [sflag:s11], $0xC80  }
0x26: {  	[sflag:s11] =	ssyncset.done $0x0  }
0x27: {  	[sflag:s11] =	ssyncadd.s32 $0xFFFFF380  }
0x28: {  	_ =	swait.ge [sflag:s8], $0xC80  }
0x29: {  	[sflag:s8] =	ssyncset.done $0x0  }
0x2a: {  	[sflag:s8] =	ssyncadd.s32 $0xFFFFF380  }
0x2b: {  	[tilespmem:s10], [sflag:$0x2] =	stream.indirect.gather [hbm4b:s4+s9], $0x8, s30, s9, $0xb8;
	[tilespmem:$0x3200] =	vst v63  }
0x2c: {  	s0 =	rddreg [dreg:$0x4]  }
0x2d: {  	[hbm4b:s0+s2] =	stream.linear.scatter [tilespmem:s5], [sflag:$0x5], $0xC80, $0x38;
	[tilespmem:$0x3200] =	vst v63  }
0x2e: {  	_ =	swait.ge [sflag:s13], $0xC80  }
0x2f: {  	[sflag:s13] =	ssyncset.done $0x0  }
0x30: {  	[sflag:s13] =	ssyncadd.s32 $0xFFFFF380  }
0x31: {  	_ =	swait.ge [sflag:s7], $0xC80  }
0x32: {  	[sflag:s7] =	ssyncset.done $0x0  }
0x33: {  	[sflag:s7] =	ssyncadd.s32 $0xFFFFF380  }
0x34: {  	[tilespmem:s5], [sflag:$0x3] =	stream.indirect.gather [hbm4b:s4+s9], $0x8, s29, s9, $0xb8;
	[tilespmem:$0x3200] =	vst v63  }
0x35: {  	s0 =	rddreg [dreg:$0x5]  }
0x36: {  	[hbm4b:s0+s2] =	stream.linear.scatter [tilespmem:s10], [sflag:$0x4], $0xC80, $0x38;
	[tilespmem:$0x3200] =	vst v63  }
0x37: {  	_ =	swait.ge [sflag:s11], $0xC80  }
0x38: {  	[sflag:s11] =	ssyncset.done $0x0  }
0x39: {  	[sflag:s11] =	ssyncadd.s32 $0xFFFFF380  }
0x3a: {  	_ =	swait.ge [sflag:s8], $0xC80  }
0x3b: {  	[sflag:s8] =	ssyncset.done $0x0  }
0x3c: {  	[sflag:s8] =	ssyncadd.s32 $0xFFFFF380  }
0x3d: {  	[tilespmem:s10], [sflag:$0x2] =	stream.indirect.gather [hbm4b:s4+s9], $0x8, s28, s9, $0xb8;
	[tilespmem:$0x3200] =	vst v63  }
0x3e: {  	s0 =	rddreg [dreg:$0x6]  }
0x3f: {  	[hbm4b:s0+s2] =	stream.linear.scatter [tilespmem:s5], [sflag:$0x5], $0xC80, $0x38;
	[tilespmem:$0x3200] =	vst v63  }
0x40: {  	_ =	swait.ge [sflag:s13], $0xC80  }
0x41: {  	[sflag:s13] =	ssyncset.done $0x0  }
0x42: {  	[sflag:s13] =	ssyncadd.s32 $0xFFFFF380  }
0x43: {  	_ =	swait.ge [sflag:s7], $0xC80  }
0x44: {  	[sflag:s7] =	ssyncset.done $0x0  }
0x45: {  	[sflag:s7] =	ssyncadd.s32 $0xFFFFF380  }
0x46: {  	[tilespmem:s5], [sflag:$0x3] =	stream.indirect.gather [hbm4b:s4+s9], $0x8, s26, s9, $0xb8;
	[tilespmem:$0x3200] =	vst v63  }
0x47: {  	s0 =	rddreg [dreg:$0x7]  }
0x48: {  	[hbm4b:s0+s2] =	stream.linear.scatter [tilespmem:s10], [sflag:$0x4], $0xC80, $0x38;
	[tilespmem:$0x3200] =	vst v63  }
0x49: {  	_ =	swait.ge [sflag:s11], $0xC80  }
0x4a: {  	[sflag:s11] =	ssyncset.done $0x0  }
0x4b: {  	[sflag:s11] =	ssyncadd.s32 $0xFFFFF380  }
0x4c: {  	_ =	swait.ge [sflag:s8], $0xC80  }
0x4d: {  	[sflag:s8] =	ssyncset.done $0x0  }
0x4e: {  	[sflag:s8] =	ssyncadd.s32 $0xFFFFF380  }
0x4f: {  	[tilespmem:s10], [sflag:$0x2] =	stream.indirect.gather [hbm4b:s4+s9], $0x8, s25, s9, $0xb8;
	[tilespmem:$0x3200] =	vst v63  }
0x50: {  	s0 =	rddreg [dreg:$0x8]  }
0x51: {  	[hbm4b:s0+s2] =	stream.linear.scatter [tilespmem:s5], [sflag:$0x5], $0xC80, $0x38;
	[tilespmem:$0x3200] =	vst v63  }
0x52: {  	_ =	swait.ge [sflag:s13], $0xC80  }
0x53: {  	[sflag:s13] =	ssyncset.done $0x0  }
0x54: {  	[sflag:s13] =	ssyncadd.s32 $0xFFFFF380  }
0x55: {  	_ =	swait.ge [sflag:s7], $0xC80  }
0x56: {  	[sflag:s7] =	ssyncset.done $0x0  }
0x57: {  	[sflag:s7] =	ssyncadd.s32 $0xFFFFF380  }
0x58: {  	[tilespmem:s5], [sflag:$0x3] =	stream.indirect.gather [hbm4b:s4+s9], $0x8, s23, s9, $0xb8;
	[tilespmem:$0x3200] =	vst v63  }
0x59: {  	s0 =	rddreg [dreg:$0x9]  }
0x5a: {  	[hbm4b:s0+s2] =	stream.linear.scatter [tilespmem:s10], [sflag:$0x4], $0xC80, $0x38;
	[tilespmem:$0x3200] =	vst v63  }
0x5b: {  	_ =	swait.ge [sflag:s11], $0xC80  }
0x5c: {  	[sflag:s11] =	ssyncset.done $0x0  }
0x5d: {  	[sflag:s11] =	ssyncadd.s32 $0xFFFFF380  }
0x5e: {  	_ =	swait.ge [sflag:s8], $0xC80  }
0x5f: {  	[sflag:s8] =	ssyncset.done $0x0  }
0x60: {  	[sflag:s8] =	ssyncadd.s32 $0xFFFFF380  }
0x61: {  	[tilespmem:s10], [sflag:$0x2] =	stream.indirect.gather [hbm4b:s4+s9], $0x8, s22, s9, $0xb8;
	[tilespmem:$0x3200] =	vst v63  }
0x62: {  	s0 =	rddreg [dreg:$0xa]  }
0x63: {  	[hbm4b:s0+s2] =	stream.linear.scatter [tilespmem:s5], [sflag:$0x5], $0xC80, $0x38;
	[tilespmem:$0x3200] =	vst v63  }
0x64: {  	_ =	swait.ge [sflag:s13], $0xC80  }
0x65: {  	[sflag:s13] =	ssyncset.done $0x0  }
0x66: {  	[sflag:s13] =	ssyncadd.s32 $0xFFFFF380  }
0x67: {  	_ =	swait.ge [sflag:s7], $0xC80  }
0x68: {  	[sflag:s7] =	ssyncset.done $0x0  }
0x69: {  	[sflag:s7] =	ssyncadd.s32 $0xFFFFF380  }
0x6a: {  	[tilespmem:s5], [sflag:$0x3] =	stream.indirect.gather [hbm4b:s4+s9], $0x8, s21, s9, $0xb8;
	[tilespmem:$0x3200] =	vst v63  }
0x6b: {  	s0 =	rddreg [dreg:$0xb]  }
0x6c: {  	[hbm4b:s0+s2] =	stream.linear.scatter [tilespmem:s10], [sflag:$0x4], $0xC80, $0x38;
	[tilespmem:$0x3200] =	vst v63  }
0x6d: {  	_ =	swait.ge [sflag:s11], $0xC80  }
0x6e: {  	[sflag:s11] =	ssyncset.done $0x0  }
0x6f: {  	[sflag:s11] =	ssyncadd.s32 $0xFFFFF380  }
0x70: {  	_ =	swait.ge [sflag:s8], $0xC80  }
0x71: {  	[sflag:s8] =	ssyncset.done $0x0  }
0x72: {  	[sflag:s8] =	ssyncadd.s32 $0xFFFFF380  }
0x73: {  	[tilespmem:s10], [sflag:$0x2] =	stream.indirect.gather [hbm4b:s4+s9], $0x8, s20, s9, $0xb8;
	[tilespmem:$0x3200] =	vst v63  }
0x74: {  	s0 =	rddreg [dreg:$0xc]  }
0x75: {  	[hbm4b:s0+s2] =	stream.linear.scatter [tilespmem:s5], [sflag:$0x5], $0xC80, $0x38;
	[tilespmem:$0x3200] =	vst v63  }
0x76: {  	_ =	swait.ge [sflag:s13], $0xC80  }
0x77: {  	[sflag:s13] =	ssyncset.done $0x0  }
0x78: {  	[sflag:s13] =	ssyncadd.s32 $0xFFFFF380  }
0x79: {  	_ =	swait.ge [sflag:s7], $0xC80  }
0x7a: {  	[sflag:s7] =	ssyncset.done $0x0  }
0x7b: {  	[sflag:s7] =	ssyncadd.s32 $0xFFFFF380  }
0x7c: {  	[tilespmem:s5], [sflag:$0x3] =	stream.indirect.gather [hbm4b:s4+s9], $0x8, s19, s9, $0xb8;
	[tilespmem:$0x3200] =	vst v63  }
0x7d: {  	s0 =	rddreg [dreg:$0xd]  }
0x7e: {  	[hbm4b:s0+s2] =	stream.linear.scatter [tilespmem:s10], [sflag:$0x4], $0xC80, $0x38;
	[tilespmem:$0x3200] =	vst v63  }
0x7f: {  	_ =	swait.ge [sflag:s11], $0xC80  }
0x80: {  	[sflag:s11] =	ssyncset.done $0x0  }
0x81: {  	[sflag:s11] =	ssyncadd.s32 $0xFFFFF380  }
0x82: {  	_ =	swait.ge [sflag:s8], $0xC80  }
0x83: {  	[sflag:s8] =	ssyncset.done $0x0  }
0x84: {  	[sflag:s8] =	ssyncadd.s32 $0xFFFFF380  }
0x85: {  	[tilespmem:s10], [sflag:$0x2] =	stream.indirect.gather [hbm4b:s4+s9], $0x8, s18, s9, $0xb8;
	[tilespmem:$0x3200] =	vst v63  }
0x86: {  	s0 =	rddreg [dreg:$0xe]  }
0x87: {  	[hbm4b:s0+s2] =	stream.linear.scatter [tilespmem:s5], [sflag:$0x5], $0xC80, $0x38;
	[tilespmem:$0x3200] =	vst v63  }
0x88: {  	_ =	swait.ge [sflag:s13], $0xC80  }
0x89: {  	[sflag:s13] =	ssyncset.done $0x0  }
0x8a: {  	[sflag:s13] =	ssyncadd.s32 $0xFFFFF380  }
0x8b: {  	_ =	swait.ge [sflag:s7], $0xC80  }
0x8c: {  	[sflag:s7] =	ssyncset.done $0x0  }
0x8d: {  	[sflag:s7] =	ssyncadd.s32 $0xFFFFF380  }
0x8e: {  	[tilespmem:s5], [sflag:$0x3] =	stream.indirect.gather [hbm4b:s4+s9], $0x8, s17, s9, $0xb8;
	[tilespmem:$0x3200] =	vst v63  }
0x8f: {  	_ = 	snop  }
0x90: {  	[hbm4b:s14+s2] =	stream.linear.scatter [tilespmem:s10], [sflag:$0x4], $0xC80, $0x38;
	[tilespmem:$0x3200] =	vst v63  }
0x91: {  	_ =	swait.ge [sflag:s11], $0xC80  }
0x92: {  	[sflag:s11] =	ssyncset.done $0x0  }
0x93: {  	[sflag:s11] =	ssyncadd.s32 $0xFFFFF380  }
0x94: {  	_ =	swait.ge [sflag:s8], $0xC80  }
0x95: {  	[sflag:s8] =	ssyncset.done $0x0  }
0x96: {  	[sflag:s8] =	ssyncadd.s32 $0xFFFFF380  }
0x97: {  	[tilespmem:s10], [sflag:$0x2] =	stream.indirect.gather [hbm4b:s4+s9], $0x8, s16, s9, $0xb8;
	[tilespmem:$0x3200] =	vst v63  }
0x98: {  	_ = 	snop  }
0x99: {  	[hbm4b:s12+s2] =	stream.linear.scatter [tilespmem:s5], [sflag:$0x5], $0xC80, $0x38;
	[tilespmem:$0x3200] =	vst v63  }
0x9a: {  	_ =	swait.ge [sflag:s13], $0xC80  }
0x9b: {  	[sflag:s13] =	ssyncset.done $0x0  }
0x9c: {  	[sflag:s13] =	ssyncadd.s32 $0xFFFFF380  }
0x9d: {  	_ =	swait.ge [sflag:s7], $0xC80  }
0x9e: {  	[sflag:s7] =	ssyncset.done $0x0  }
0x9f: {  	[sflag:s7] =	ssyncadd.s32 $0xFFFFF380  }
0xa0: {  	[tilespmem:s5], [sflag:$0x3] =	stream.indirect.gather [hbm4b:s4+s9], $0x8, s15, s9, $0xb8;
	[tilespmem:$0x3200] =	vst v63  }
0xa1: {  	_ = 	snop  }
0xa2: {  	[hbm4b:s6+s2] =	stream.linear.scatter [tilespmem:s10], [sflag:$0x4], $0xC80, $0x38;
	[tilespmem:$0x3200] =	vst v63  }
0xa3: {  	_ =	swait.ge [sflag:s11], $0xC80  }
0xa4: {  	[sflag:s11] =	ssyncset.done $0x0  }
0xa5: {  	[sflag:s11] =	ssyncadd.s32 $0xFFFFF380  }
0xa6: {  	p1 =	sne.s32 s1, $0x1;
	_ =	swait.ge [sflag:s8], $0xC80  }
.Ltmp1:
0xa7: {  	[sflag:s8] =	ssyncset.done $0x0;
	(pc) =	sbr.rel @!p1 .LBB2_3-.Ltmp1, $4  }
0xa8: {  	[sflag:s8] =	ssyncadd.s32 $0xFFFFF380  }
0xa9: {  	[hbm4b:s3+s2] =	stream.linear.scatter [tilespmem:s5], [sflag:$0x5], $0xC80, $0x38;
	[tilespmem:$0x3200] =	vst v63  }
0xaa: {  	s1 =	sadd.s32 $0xFFFFFFFF, s1;
	_ =	swait.ge [sflag:s7], $0xC80  }
0xab: {  	p0 =	por $0x1, $0x1;
	s0 =	rddreg [dreg:$0x3];
	[sflag:s7] =	ssyncset.done $0x0  }
.LBB2_2:
0xac: {  	[sflag:s7] =	ssyncadd.s32 $0xFFFFF380  }
0xad: {  	[tilespmem:s2], [sflag:$0x1] =	stream.linear.gather [hbm4b:s0+s2], $0x1900, $0x38;
	[tilespmem:$0x3200] =	vst v63  }
0xae: {  	_ =	swait.ge [sflag:s31], $0x1900  }
0xaf: {  	[sflag:s31] =	ssyncset.done $0x0  }
0xb0: {  	[sflag:s31] =	ssyncadd.s32 $0xFFFFE700  }
0xb1: {  	[tilespmem:s10], [sflag:$0x2] =	stream.indirect.gather [hbm4b:s4+s9], $0x8, s2, s9, $0xb8;
	[tilespmem:$0x3200] =	vst v63  }
0xb2: {  	_ =	swait.ge [sflag:s13], $0xC80  }
0xb3: {  	[sflag:s13] =	ssyncset.done $0x0  }
0xb4: {  	[sflag:s13] =	ssyncadd.s32 $0xFFFFF380  }
0xb5: {  	[tilespmem:s5], [sflag:$0x3] =	stream.indirect.gather [hbm4b:s4+s9], $0x8, s9, s9, $0xb8;
	[tilespmem:$0x3200] =	vst v63  }
0xb6: {  	_ = 	snop  }
0xb7: {  	[hbm4b:s24+s2] =	stream.linear.scatter [tilespmem:s10], [sflag:$0x4], $0xC80, $0x38;
	[tilespmem:$0x3200] =	vst v63  }
0xb8: {  	_ =	swait.ge [sflag:s11], $0xC80  }
0xb9: {  	[sflag:s11] =	ssyncset.done $0x0  }
0xba: {  	[sflag:s11] =	ssyncadd.s32 $0xFFFFF380  }
0xbb: {  	_ =	swait.ge [sflag:s8], $0xC80  }
0xbc: {  	[sflag:s8] =	ssyncset.done $0x0  }
0xbd: {  	[sflag:s8] =	ssyncadd.s32 $0xFFFFF380  }
0xbe: {  	[tilespmem:s10], [sflag:$0x2] =	stream.indirect.gather [hbm4b:s4+s9], $0x8, s30, s9, $0xb8;
	[tilespmem:$0x3200] =	vst v63  }
0xbf: {  	s0 =	rddreg [dreg:$0x4]  }
0xc0: {  	[hbm4b:s0+s2] =	stream.linear.scatter [tilespmem:s5], [sflag:$0x5], $0xC80, $0x38;
	[tilespmem:$0x3200] =	vst v63  }
0xc1: {  	_ =	swait.ge [sflag:s13], $0xC80  }
0xc2: {  	[sflag:s13] =	ssyncset.done $0x0  }
0xc3: {  	[sflag:s13] =	ssyncadd.s32 $0xFFFFF380  }
0xc4: {  	_ =	swait.ge [sflag:s7], $0xC80  }
0xc5: {  	[sflag:s7] =	ssyncset.done $0x0  }
0xc6: {  	[sflag:s7] =	ssyncadd.s32 $0xFFFFF380  }
0xc7: {  	[tilespmem:s5], [sflag:$0x3] =	stream.indirect.gather [hbm4b:s4+s9], $0x8, s29, s9, $0xb8;
	[tilespmem:$0x3200] =	vst v63  }
0xc8: {  	s0 =	rddreg [dreg:$0x5]  }
0xc9: {  	[hbm4b:s0+s2] =	stream.linear.scatter [tilespmem:s10], [sflag:$0x4], $0xC80, $0x38;
	[tilespmem:$0x3200] =	vst v63  }
0xca: {  	_ =	swait.ge [sflag:s11], $0xC80  }
0xcb: {  	[sflag:s11] =	ssyncset.done $0x0  }
0xcc: {  	[sflag:s11] =	ssyncadd.s32 $0xFFFFF380  }
0xcd: {  	_ =	swait.ge [sflag:s8], $0xC80  }
0xce: {  	[sflag:s8] =	ssyncset.done $0x0  }
0xcf: {  	[sflag:s8] =	ssyncadd.s32 $0xFFFFF380  }
0xd0: {  	[tilespmem:s10], [sflag:$0x2] =	stream.indirect.gather [hbm4b:s4+s9], $0x8, s28, s9, $0xb8;
	[tilespmem:$0x3200] =	vst v63  }
0xd1: {  	s0 =	rddreg [dreg:$0x6]  }
0xd2: {  	[hbm4b:s0+s2] =	stream.linear.scatter [tilespmem:s5], [sflag:$0x5], $0xC80, $0x38;
	[tilespmem:$0x3200] =	vst v63  }
0xd3: {  	_ =	swait.ge [sflag:s13], $0xC80  }
0xd4: {  	[sflag:s13] =	ssyncset.done $0x0  }
0xd5: {  	[sflag:s13] =	ssyncadd.s32 $0xFFFFF380  }
0xd6: {  	_ =	swait.ge [sflag:s7], $0xC80  }
0xd7: {  	[sflag:s7] =	ssyncset.done $0x0  }
0xd8: {  	[sflag:s7] =	ssyncadd.s32 $0xFFFFF380  }
0xd9: {  	[tilespmem:s5], [sflag:$0x3] =	stream.indirect.gather [hbm4b:s4+s9], $0x8, s26, s9, $0xb8;
	[tilespmem:$0x3200] =	vst v63  }
0xda: {  	s0 =	rddreg [dreg:$0x7]  }
0xdb: {  	[hbm4b:s0+s2] =	stream.linear.scatter [tilespmem:s10], [sflag:$0x4], $0xC80, $0x38;
	[tilespmem:$0x3200] =	vst v63  }
0xdc: {  	_ =	swait.ge [sflag:s11], $0xC80  }
0xdd: {  	[sflag:s11] =	ssyncset.done $0x0  }
0xde: {  	[sflag:s11] =	ssyncadd.s32 $0xFFFFF380  }
0xdf: {  	_ =	swait.ge [sflag:s8], $0xC80  }
0xe0: {  	[sflag:s8] =	ssyncset.done $0x0  }
0xe1: {  	[sflag:s8] =	ssyncadd.s32 $0xFFFFF380  }
0xe2: {  	[tilespmem:s10], [sflag:$0x2] =	stream.indirect.gather [hbm4b:s4+s9], $0x8, s25, s9, $0xb8;
	[tilespmem:$0x3200] =	vst v63  }
0xe3: {  	s0 =	rddreg [dreg:$0x8]  }
0xe4: {  	[hbm4b:s0+s2] =	stream.linear.scatter [tilespmem:s5], [sflag:$0x5], $0xC80, $0x38;
	[tilespmem:$0x3200] =	vst v63  }
0xe5: {  	_ =	swait.ge [sflag:s13], $0xC80  }
0xe6: {  	[sflag:s13] =	ssyncset.done $0x0  }
0xe7: {  	[sflag:s13] =	ssyncadd.s32 $0xFFFFF380  }
0xe8: {  	_ =	swait.ge [sflag:s7], $0xC80  }
0xe9: {  	[sflag:s7] =	ssyncset.done $0x0  }
0xea: {  	[sflag:s7] =	ssyncadd.s32 $0xFFFFF380  }
0xeb: {  	[tilespmem:s5], [sflag:$0x3] =	stream.indirect.gather [hbm4b:s4+s9], $0x8, s23, s9, $0xb8;
	[tilespmem:$0x3200] =	vst v63  }
0xec: {  	s0 =	rddreg [dreg:$0x9]  }
0xed: {  	[hbm4b:s0+s2] =	stream.linear.scatter [tilespmem:s10], [sflag:$0x4], $0xC80, $0x38;
	[tilespmem:$0x3200] =	vst v63  }
0xee: {  	_ =	swait.ge [sflag:s11], $0xC80  }
0xef: {  	[sflag:s11] =	ssyncset.done $0x0  }
0xf0: {  	[sflag:s11] =	ssyncadd.s32 $0xFFFFF380  }
0xf1: {  	_ =	swait.ge [sflag:s8], $0xC80  }
0xf2: {  	[sflag:s8] =	ssyncset.done $0x0  }
0xf3: {  	[sflag:s8] =	ssyncadd.s32 $0xFFFFF380  }
0xf4: {  	[tilespmem:s10], [sflag:$0x2] =	stream.indirect.gather [hbm4b:s4+s9], $0x8, s22, s9, $0xb8;
	[tilespmem:$0x3200] =	vst v63  }
0xf5: {  	s0 =	rddreg [dreg:$0xa]  }
0xf6: {  	[hbm4b:s0+s2] =	stream.linear.scatter [tilespmem:s5], [sflag:$0x5], $0xC80, $0x38;
	[tilespmem:$0x3200] =	vst v63  }
0xf7: {  	_ =	swait.ge [sflag:s13], $0xC80  }
0xf8: {  	[sflag:s13] =	ssyncset.done $0x0  }
0xf9: {  	[sflag:s13] =	ssyncadd.s32 $0xFFFFF380  }
0xfa: {  	_ =	swait.ge [sflag:s7], $0xC80  }
0xfb: {  	[sflag:s7] =	ssyncset.done $0x0  }
0xfc: {  	[sflag:s7] =	ssyncadd.s32 $0xFFFFF380  }
0xfd: {  	[tilespmem:s5], [sflag:$0x3] =	stream.indirect.gather [hbm4b:s4+s9], $0x8, s21, s9, $0xb8;
	[tilespmem:$0x3200] =	vst v63  }
0xfe: {  	s0 =	rddreg [dreg:$0xb]  }
0xff: {  	[hbm4b:s0+s2] =	stream.linear.scatter [tilespmem:s10], [sflag:$0x4], $0xC80, $0x38;
	[tilespmem:$0x3200] =	vst v63  }
0x100: {  	_ =	swait.ge [sflag:s11], $0xC80  }
0x101: {  	[sflag:s11] =	ssyncset.done $0x0  }
0x102: {  	[sflag:s11] =	ssyncadd.s32 $0xFFFFF380  }
0x103: {  	_ =	swait.ge [sflag:s8], $0xC80  }
0x104: {  	[sflag:s8] =	ssyncset.done $0x0  }
0x105: {  	[sflag:s8] =	ssyncadd.s32 $0xFFFFF380  }
0x106: {  	[tilespmem:s10], [sflag:$0x2] =	stream.indirect.gather [hbm4b:s4+s9], $0x8, s20, s9, $0xb8;
	[tilespmem:$0x3200] =	vst v63  }
0x107: {  	s0 =	rddreg [dreg:$0xc]  }
0x108: {  	[hbm4b:s0+s2] =	stream.linear.scatter [tilespmem:s5], [sflag:$0x5], $0xC80, $0x38;
	[tilespmem:$0x3200] =	vst v63  }
0x109: {  	_ =	swait.ge [sflag:s13], $0xC80  }
0x10a: {  	[sflag:s13] =	ssyncset.done $0x0  }
0x10b: {  	[sflag:s13] =	ssyncadd.s32 $0xFFFFF380  }
0x10c: {  	_ =	swait.ge [sflag:s7], $0xC80  }
0x10d: {  	[sflag:s7] =	ssyncset.done $0x0  }
0x10e: {  	[sflag:s7] =	ssyncadd.s32 $0xFFFFF380  }
0x10f: {  	[tilespmem:s5], [sflag:$0x3] =	stream.indirect.gather [hbm4b:s4+s9], $0x8, s19, s9, $0xb8;
	[tilespmem:$0x3200] =	vst v63  }
0x110: {  	s0 =	rddreg [dreg:$0xd]  }
0x111: {  	[hbm4b:s0+s2] =	stream.linear.scatter [tilespmem:s10], [sflag:$0x4], $0xC80, $0x38;
	[tilespmem:$0x3200] =	vst v63  }
0x112: {  	_ =	swait.ge [sflag:s11], $0xC80  }
0x113: {  	[sflag:s11] =	ssyncset.done $0x0  }
0x114: {  	[sflag:s11] =	ssyncadd.s32 $0xFFFFF380  }
0x115: {  	_ =	swait.ge [sflag:s8], $0xC80  }
0x116: {  	[sflag:s8] =	ssyncset.done $0x0  }
0x117: {  	[sflag:s8] =	ssyncadd.s32 $0xFFFFF380  }
0x118: {  	[tilespmem:s10], [sflag:$0x2] =	stream.indirect.gather [hbm4b:s4+s9], $0x8, s18, s9, $0xb8;
	[tilespmem:$0x3200] =	vst v63  }
0x119: {  	s0 =	rddreg [dreg:$0xe]  }
0x11a: {  	[hbm4b:s0+s2] =	stream.linear.scatter [tilespmem:s5], [sflag:$0x5], $0xC80, $0x38;
	[tilespmem:$0x3200] =	vst v63  }
0x11b: {  	_ =	swait.ge [sflag:s13], $0xC80  }
0x11c: {  	[sflag:s13] =	ssyncset.done $0x0  }
0x11d: {  	[sflag:s13] =	ssyncadd.s32 $0xFFFFF380  }
0x11e: {  	_ =	swait.ge [sflag:s7], $0xC80  }
0x11f: {  	[sflag:s7] =	ssyncset.done $0x0  }
0x120: {  	[sflag:s7] =	ssyncadd.s32 $0xFFFFF380  }
0x121: {  	[tilespmem:s5], [sflag:$0x3] =	stream.indirect.gather [hbm4b:s4+s9], $0x8, s17, s9, $0xb8;
	[tilespmem:$0x3200] =	vst v63  }
0x122: {  	_ = 	snop  }
0x123: {  	[hbm4b:s14+s2] =	stream.linear.scatter [tilespmem:s10], [sflag:$0x4], $0xC80, $0x38;
	[tilespmem:$0x3200] =	vst v63  }
0x124: {  	_ =	swait.ge [sflag:s11], $0xC80  }
0x125: {  	[sflag:s11] =	ssyncset.done $0x0  }
0x126: {  	[sflag:s11] =	ssyncadd.s32 $0xFFFFF380  }
0x127: {  	_ =	swait.ge [sflag:s8], $0xC80  }
0x128: {  	[sflag:s8] =	ssyncset.done $0x0  }
0x129: {  	[sflag:s8] =	ssyncadd.s32 $0xFFFFF380  }
0x12a: {  	[tilespmem:s10], [sflag:$0x2] =	stream.indirect.gather [hbm4b:s4+s9], $0x8, s16, s9, $0xb8;
	[tilespmem:$0x3200] =	vst v63  }
0x12b: {  	_ = 	snop  }
0x12c: {  	[hbm4b:s12+s2] =	stream.linear.scatter [tilespmem:s5], [sflag:$0x5], $0xC80, $0x38;
	[tilespmem:$0x3200] =	vst v63  }
0x12d: {  	_ =	swait.ge [sflag:s13], $0xC80  }
0x12e: {  	[sflag:s13] =	ssyncset.done $0x0  }
0x12f: {  	[sflag:s13] =	ssyncadd.s32 $0xFFFFF380  }
0x130: {  	_ =	swait.ge [sflag:s7], $0xC80  }
0x131: {  	[sflag:s7] =	ssyncset.done $0x0  }
0x132: {  	[sflag:s7] =	ssyncadd.s32 $0xFFFFF380  }
0x133: {  	[tilespmem:s5], [sflag:$0x3] =	stream.indirect.gather [hbm4b:s4+s9], $0x8, s15, s9, $0xb8;
	[tilespmem:$0x3200] =	vst v63  }
0x134: {  	_ = 	snop  }
0x135: {  	[hbm4b:s6+s2] =	stream.linear.scatter [tilespmem:s10], [sflag:$0x4], $0xC80, $0x38;
	[tilespmem:$0x3200] =	vst v63  }
0x136: {  	_ =	swait.ge [sflag:s11], $0xC80  }
0x137: {  	[sflag:s11] =	ssyncset.done $0x0  }
0x138: {  	[sflag:s11] =	ssyncadd.s32 $0xFFFFF380  }
0x139: {  	p1 =	sne.s32 s1, $0x1;
	_ =	swait.ge [sflag:s8], $0xC80  }
.Ltmp2:
0x13a: {  	[sflag:s8] =	ssyncset.done $0x0;
	(pc) =	sbr.rel @p1 .LBB2_2-.Ltmp2, $4  }
0x13b: {  	[sflag:s8] =	ssyncadd.s32 $0xFFFFF380  }
0x13c: {  	[hbm4b:s3+s2] =	stream.linear.scatter [tilespmem:s5], [sflag:$0x5], $0xC80, $0x38;
	[tilespmem:$0x3200] =	vst v63  }
0x13d: {  	_ =	swait.ge [sflag:s7], $0xC80  }
0x13e: {  	s1 =	sadd.s32 $0xFFFFFFFF, s1;
	s0 =	rddreg [dreg:$0x3];
	[sflag:s7] =	ssyncset.done $0x0  }
.LBB2_3:
0x13f: {  	[sflag:s7] =	ssyncadd.s32 @p0 $0xFFFFF380  }
0x140: {  	[tilespmem:s2], [sflag:$0x1] =	stream.linear.gather [hbm4b:s0+s2], $0x1900, $0x38;
	[tilespmem:$0x3200] =	vst v63  }
0x141: {  	_ =	swait.ge [sflag:s31], $0x1900  }
0x142: {  	[sflag:s31] =	ssyncset.done $0x0  }
0x143: {  	[sflag:s31] =	ssyncadd.s32 $0xFFFFE700  }
0x144: {  	[tilespmem:s10], [sflag:$0x2] =	stream.indirect.gather [hbm4b:s4+s9], $0x8, s2, s9, $0xb8;
	[tilespmem:$0x3200] =	vst v63  }
0x145: {  	_ =	swait.ge [sflag:s13], $0xC80  }
0x146: {  	[sflag:s13] =	ssyncset.done $0x0  }
0x147: {  	[sflag:s13] =	ssyncadd.s32 $0xFFFFF380  }
0x148: {  	[tilespmem:s5], [sflag:$0x3] =	stream.indirect.gather [hbm4b:s4+s9], $0x8, s9, s9, $0xb8;
	[tilespmem:$0x3200] =	vst v63  }
0x149: {  	_ = 	snop  }
0x14a: {  	[hbm4b:s24+s2] =	stream.linear.scatter [tilespmem:s10], [sflag:$0x4], $0xC80, $0x38;
	[tilespmem:$0x3200] =	vst v63  }
0x14b: {  	_ =	swait.ge [sflag:s11], $0xC80  }
0x14c: {  	[sflag:s11] =	ssyncset.done $0x0  }
0x14d: {  	[sflag:s11] =	ssyncadd.s32 $0xFFFFF380  }
0x14e: {  	_ =	swait.ge [sflag:s8], $0xC80  }
0x14f: {  	[sflag:s8] =	ssyncset.done $0x0  }
0x150: {  	[sflag:s8] =	ssyncadd.s32 $0xFFFFF380  }
0x151: {  	[tilespmem:s10], [sflag:$0x2] =	stream.indirect.gather [hbm4b:s4+s9], $0x8, s30, s9, $0xb8;
	[tilespmem:$0x3200] =	vst v63  }
0x152: {  	s1 =	rddreg [dreg:$0x4]  }
0x153: {  	[hbm4b:s1+s2] =	stream.linear.scatter [tilespmem:s5], [sflag:$0x5], $0xC80, $0x38;
	[tilespmem:$0x3200] =	vst v63  }
0x154: {  	_ =	swait.ge [sflag:s13], $0xC80  }
0x155: {  	[sflag:s13] =	ssyncset.done $0x0  }
0x156: {  	[sflag:s13] =	ssyncadd.s32 $0xFFFFF380  }
0x157: {  	_ =	swait.ge [sflag:s7], $0xC80  }
0x158: {  	[sflag:s7] =	ssyncset.done $0x0  }
0x159: {  	[sflag:s7] =	ssyncadd.s32 $0xFFFFF380  }
0x15a: {  	[tilespmem:s5], [sflag:$0x3] =	stream.indirect.gather [hbm4b:s4+s9], $0x8, s29, s9, $0xb8;
	[tilespmem:$0x3200] =	vst v63  }
0x15b: {  	s24 =	rddreg [dreg:$0x5]  }
0x15c: {  	[hbm4b:s24+s2] =	stream.linear.scatter [tilespmem:s10], [sflag:$0x4], $0xC80, $0x38;
	[tilespmem:$0x3200] =	vst v63  }
0x15d: {  	_ =	swait.ge [sflag:s11], $0xC80  }
0x15e: {  	[sflag:s11] =	ssyncset.done $0x0  }
0x15f: {  	[sflag:s11] =	ssyncadd.s32 $0xFFFFF380  }
0x160: {  	_ =	swait.ge [sflag:s8], $0xC80  }
0x161: {  	[sflag:s8] =	ssyncset.done $0x0  }
0x162: {  	[sflag:s8] =	ssyncadd.s32 $0xFFFFF380  }
0x163: {  	[tilespmem:s10], [sflag:$0x2] =	stream.indirect.gather [hbm4b:s4+s9], $0x8, s28, s9, $0xb8;
	[tilespmem:$0x3200] =	vst v63  }
0x164: {  	s30 =	rddreg [dreg:$0x6]  }
0x165: {  	[hbm4b:s30+s2] =	stream.linear.scatter [tilespmem:s5], [sflag:$0x5], $0xC80, $0x38;
	[tilespmem:$0x3200] =	vst v63  }
0x166: {  	_ =	swait.ge [sflag:s13], $0xC80  }
0x167: {  	[sflag:s13] =	ssyncset.done $0x0  }
0x168: {  	[sflag:s13] =	ssyncadd.s32 $0xFFFFF380  }
0x169: {  	_ =	swait.ge [sflag:s7], $0xC80  }
0x16a: {  	[sflag:s7] =	ssyncset.done $0x0  }
0x16b: {  	[sflag:s7] =	ssyncadd.s32 $0xFFFFF380  }
0x16c: {  	[tilespmem:s5], [sflag:$0x3] =	stream.indirect.gather [hbm4b:s4+s9], $0x8, s26, s9, $0xb8;
	[tilespmem:$0x3200] =	vst v63  }
0x16d: {  	s31 =	rddreg [dreg:$0x7]  }
0x16e: {  	[hbm4b:s31+s2] =	stream.linear.scatter [tilespmem:s10], [sflag:$0x4], $0xC80, $0x38;
	[tilespmem:$0x3200] =	vst v63  }
0x16f: {  	_ =	swait.ge [sflag:s11], $0xC80  }
0x170: {  	[sflag:s11] =	ssyncset.done $0x0  }
0x171: {  	[sflag:s11] =	ssyncadd.s32 $0xFFFFF380  }
0x172: {  	_ =	swait.ge [sflag:s8], $0xC80  }
0x173: {  	[sflag:s8] =	ssyncset.done $0x0  }
0x174: {  	[sflag:s8] =	ssyncadd.s32 $0xFFFFF380  }
0x175: {  	[tilespmem:s10], [sflag:$0x2] =	stream.indirect.gather [hbm4b:s4+s9], $0x8, s25, s9, $0xb8;
	[tilespmem:$0x3200] =	vst v63  }
0x176: {  	s1 =	rddreg [dreg:$0x8]  }
0x177: {  	[hbm4b:s1+s2] =	stream.linear.scatter [tilespmem:s5], [sflag:$0x5], $0xC80, $0x38;
	[tilespmem:$0x3200] =	vst v63  }
0x178: {  	_ =	swait.ge [sflag:s13], $0xC80  }
0x179: {  	[sflag:s13] =	ssyncset.done $0x0  }
0x17a: {  	[sflag:s13] =	ssyncadd.s32 $0xFFFFF380  }
0x17b: {  	_ =	swait.ge [sflag:s7], $0xC80  }
0x17c: {  	[sflag:s7] =	ssyncset.done $0x0  }
0x17d: {  	[sflag:s7] =	ssyncadd.s32 $0xFFFFF380  }
0x17e: {  	[tilespmem:s5], [sflag:$0x3] =	stream.indirect.gather [hbm4b:s4+s9], $0x8, s23, s9, $0xb8;
	[tilespmem:$0x3200] =	vst v63  }
0x17f: {  	s24 =	rddreg [dreg:$0x9]  }
0x180: {  	[hbm4b:s24+s2] =	stream.linear.scatter [tilespmem:s10], [sflag:$0x4], $0xC80, $0x38;
	[tilespmem:$0x3200] =	vst v63  }
0x181: {  	_ =	swait.ge [sflag:s11], $0xC80  }
0x182: {  	[sflag:s11] =	ssyncset.done $0x0  }
0x183: {  	[sflag:s11] =	ssyncadd.s32 $0xFFFFF380  }
0x184: {  	_ =	swait.ge [sflag:s8], $0xC80  }
0x185: {  	[sflag:s8] =	ssyncset.done $0x0  }
0x186: {  	[sflag:s8] =	ssyncadd.s32 $0xFFFFF380  }
0x187: {  	[tilespmem:s10], [sflag:$0x2] =	stream.indirect.gather [hbm4b:s4+s9], $0x8, s22, s9, $0xb8;
	[tilespmem:$0x3200] =	vst v63  }
0x188: {  	s25 =	rddreg [dreg:$0xa]  }
0x189: {  	[hbm4b:s25+s2] =	stream.linear.scatter [tilespmem:s5], [sflag:$0x5], $0xC80, $0x38;
	[tilespmem:$0x3200] =	vst v63  }
0x18a: {  	_ =	swait.ge [sflag:s13], $0xC80  }
0x18b: {  	[sflag:s13] =	ssyncset.done $0x0  }
0x18c: {  	[sflag:s13] =	ssyncadd.s32 $0xFFFFF380  }
0x18d: {  	_ =	swait.ge [sflag:s7], $0xC80  }
0x18e: {  	[sflag:s7] =	ssyncset.done $0x0  }
0x18f: {  	[sflag:s7] =	ssyncadd.s32 $0xFFFFF380  }
0x190: {  	[tilespmem:s5], [sflag:$0x3] =	stream.indirect.gather [hbm4b:s4+s9], $0x8, s21, s9, $0xb8;
	[tilespmem:$0x3200] =	vst v63  }
0x191: {  	s26 =	rddreg [dreg:$0xb]  }
0x192: {  	[hbm4b:s26+s2] =	stream.linear.scatter [tilespmem:s10], [sflag:$0x4], $0xC80, $0x38;
	[tilespmem:$0x3200] =	vst v63  }
0x193: {  	_ =	swait.ge [sflag:s11], $0xC80  }
0x194: {  	[sflag:s11] =	ssyncset.done $0x0  }
0x195: {  	[sflag:s11] =	ssyncadd.s32 $0xFFFFF380  }
0x196: {  	_ =	swait.ge [sflag:s8], $0xC80  }
0x197: {  	[sflag:s8] =	ssyncset.done $0x0  }
0x198: {  	[sflag:s8] =	ssyncadd.s32 $0xFFFFF380  }
0x199: {  	[tilespmem:s10], [sflag:$0x2] =	stream.indirect.gather [hbm4b:s4+s9], $0x8, s20, s9, $0xb8;
	[tilespmem:$0x3200] =	vst v63  }
0x19a: {  	s28 =	rddreg [dreg:$0xc]  }
0x19b: {  	[hbm4b:s28+s2] =	stream.linear.scatter [tilespmem:s5], [sflag:$0x5], $0xC80, $0x38;
	[tilespmem:$0x3200] =	vst v63  }
0x19c: {  	_ =	swait.ge [sflag:s13], $0xC80  }
0x19d: {  	[sflag:s13] =	ssyncset.done $0x0  }
0x19e: {  	[sflag:s13] =	ssyncadd.s32 $0xFFFFF380  }
0x19f: {  	_ =	swait.ge [sflag:s7], $0xC80  }
0x1a0: {  	[sflag:s7] =	ssyncset.done $0x0  }
0x1a1: {  	[sflag:s7] =	ssyncadd.s32 $0xFFFFF380  }
0x1a2: {  	[tilespmem:s5], [sflag:$0x3] =	stream.indirect.gather [hbm4b:s4+s9], $0x8, s19, s9, $0xb8;
	[tilespmem:$0x3200] =	vst v63  }
0x1a3: {  	s29 =	rddreg [dreg:$0xd]  }
0x1a4: {  	[hbm4b:s29+s2] =	stream.linear.scatter [tilespmem:s10], [sflag:$0x4], $0xC80, $0x38;
	[tilespmem:$0x3200] =	vst v63  }
0x1a5: {  	_ =	swait.ge [sflag:s11], $0xC80  }
0x1a6: {  	[sflag:s11] =	ssyncset.done $0x0  }
0x1a7: {  	[sflag:s11] =	ssyncadd.s32 $0xFFFFF380  }
0x1a8: {  	_ =	swait.ge [sflag:s8], $0xC80  }
0x1a9: {  	[sflag:s8] =	ssyncset.done $0x0  }
0x1aa: {  	[sflag:s8] =	ssyncadd.s32 $0xFFFFF380  }
0x1ab: {  	[tilespmem:s10], [sflag:$0x2] =	stream.indirect.gather [hbm4b:s4+s9], $0x8, s18, s9, $0xb8;
	[tilespmem:$0x3200] =	vst v63  }
0x1ac: {  	s30 =	rddreg [dreg:$0xe]  }
0x1ad: {  	[hbm4b:s30+s2] =	stream.linear.scatter [tilespmem:s5], [sflag:$0x5], $0xC80, $0x38;
	[tilespmem:$0x3200] =	vst v63  }
0x1ae: {  	_ =	swait.ge [sflag:s13], $0xC80  }
0x1af: {  	[sflag:s13] =	ssyncset.done $0x0  }
0x1b0: {  	[sflag:s13] =	ssyncadd.s32 $0xFFFFF380  }
0x1b1: {  	_ =	swait.ge [sflag:s7], $0xC80  }
0x1b2: {  	[sflag:s7] =	ssyncset.done $0x0  }
0x1b3: {  	[sflag:s7] =	ssyncadd.s32 $0xFFFFF380  }
0x1b4: {  	[tilespmem:s5], [sflag:$0x3] =	stream.indirect.gather [hbm4b:s4+s9], $0x8, s17, s9, $0xb8;
	[tilespmem:$0x3200] =	vst v63  }
0x1b5: {  	_ = 	snop  }
0x1b6: {  	[hbm4b:s14+s2] =	stream.linear.scatter [tilespmem:s10], [sflag:$0x4], $0xC80, $0x38;
	[tilespmem:$0x3200] =	vst v63  }
0x1b7: {  	_ =	swait.ge [sflag:s11], $0xC80  }
0x1b8: {  	[sflag:s11] =	ssyncset.done $0x0  }
0x1b9: {  	[sflag:s11] =	ssyncadd.s32 $0xFFFFF380  }
0x1ba: {  	_ =	swait.ge [sflag:s8], $0xC80  }
0x1bb: {  	[sflag:s8] =	ssyncset.done $0x0  }
0x1bc: {  	[sflag:s8] =	ssyncadd.s32 $0xFFFFF380  }
0x1bd: {  	[tilespmem:s10], [sflag:$0x2] =	stream.indirect.gather [hbm4b:s4+s9], $0x8, s16, s9, $0xb8;
	[tilespmem:$0x3200] =	vst v63  }
0x1be: {  	_ = 	snop  }
0x1bf: {  	[hbm4b:s12+s2] =	stream.linear.scatter [tilespmem:s5], [sflag:$0x5], $0xC80, $0x38;
	[tilespmem:$0x3200] =	vst v63  }
0x1c0: {  	_ =	swait.ge [sflag:s13], $0xC80  }
0x1c1: {  	[sflag:s13] =	ssyncset.done $0x0  }
0x1c2: {  	[sflag:s13] =	ssyncadd.s32 $0xFFFFF380  }
0x1c3: {  	_ =	swait.ge [sflag:s7], $0xC80  }
0x1c4: {  	[sflag:s7] =	ssyncset.done $0x0  }
0x1c5: {  	[sflag:s7] =	ssyncadd.s32 $0xFFFFF380  }
0x1c6: {  	[tilespmem:s5], [sflag:$0x3] =	stream.indirect.gather [hbm4b:s4+s9], $0x8, s15, s9, $0xb8;
	[tilespmem:$0x3200] =	vst v63  }
0x1c7: {  	_ = 	snop  }
0x1c8: {  	[hbm4b:s6+s2] =	stream.linear.scatter [tilespmem:s10], [sflag:$0x4], $0xC80, $0x38;
	[tilespmem:$0x3200] =	vst v63  }
0x1c9: {  	_ =	swait.ge [sflag:s11], $0xC80  }
0x1ca: {  	[sflag:s11] =	ssyncset.done $0x0  }
0x1cb: {  	[sflag:s11] =	ssyncadd.s32 $0xFFFFF380  }
0x1cc: {  	_ =	swait.ge [sflag:s8], $0xC80  }
0x1cd: {  	[sflag:s8] =	ssyncset.done $0x0  }
0x1ce: {  	[sflag:s8] =	ssyncadd.s32 $0xFFFFF380  }
0x1cf: {  	[hbm4b:s3+s2] =	stream.linear.scatter [tilespmem:s5], [sflag:$0x5], $0xC80, $0x38;
	[tilespmem:$0x3200] =	vst v63  }
0x1d0: {  	_ =	swait.ge [sflag:s7], $0xC80  }
0x1d1: {  	[sflag:s7] =	ssyncset.done $0x0  }
0x1d2: {  	[sflag:s7] =	ssyncadd.s32 $0xFFFFF380  }
0x1d3: {  	_ =	sfence.sel $0x180000  }
0x1d4: {  	[bflag:$0x0] =	sbarrier.arrive $0xFFFF  }
0x1d5: {  	_ =	strace $0x90000047  }
0x1d6: {  	s31 =	stileid.u32;
	[bflag:$0x2] =	sbarrier.arrive $0xFFFF  }
0x1d7: {  	p0 =	sne.s32 s31, $0x0;
	s0 =	rddreg [dreg:$0x2]  }
0x1d8: {  	s0 =	sadd.s32 @!p0 $0x100000, s0  }
0x1d9: {  	[sflag:s0] =	ssyncadd.tile.s32 @!p0 $0x1;
	_ =	shalt  }
.Lfunc_end2:
_tile_overlayer_lowered:
.L_overlay_start_2:
0x1da: {  	(tag) =	ssettag $0x2  }
0x1db: {  	s0 =	rddreg [dreg:$0x0];
	s2 =	stileid.u32  }
0x1dc: {  	s1 =	rddreg [dreg:$0x1];
	p0 =	sne.s32 s2, $0x0  }
0x1dd: {  	s3 =	rddreg [dreg:$0x2];
	[bflag:$0x3] =	sbarrier.arrive $0xFFFF;
	s2 =	simm.s32 @!p0 $0x1C06  }
0x1de: {  	[timem:s3], [sflag:s2] =	dma.local @!p0 [hbm:s0], s1  }
0x1df: {  	s0 =	simm.s32 @!p0 $0x6  }
0x1e0: {  	_ =	swait.ge @!p0 [sflag:s0], s1  }
0x1e1: {  	s1 =	ssub.s32 @!p0 $0x0, s1;
	[sflag:s0] =	ssyncset.done @!p0 $0x0  }
0x1e2: {  	[sflag:s0] =	ssyncadd.s32 @!p0 s1  }
0x1e3: {  	[bflag:$0x3] =	sbarrier.arrive $0xFFFF  }
0x1e4: {  	_ =	shalt  }

</sc_bundles>
